<compile_context>
chip_gen: v7x
topology: tpu7x:2x2x1
jax: 0.10.2.dev20260603
libtpu: 0.0.44.dev20260713+nightly
codegen_flags: <defaults>
</compile_context>

<pallas_src>
import jax
import jax.numpy as jnp
from jax import lax
from jax.experimental import pallas as pl
from jax.experimental.pallas import tpu as pltpu
from jax.experimental.pallas import tpu_sc as plsc

EPS = 1e-5

V = 60000
P = 20
IN_DIM = 4
HID = 16
OUT = 16
B, GH, GW, GZ = 2, 256, 256, 16
NCELL = B * GH * GW * GZ

BV = 1200
NBLK = V // BV
PH = P * HID

NW = 32
WIN = 4000
NWIN = V // WIN
VECS = WIN // 16
CAPR = 3072
PPW = 8192 // NW
PLANE = GZ * GW
NRING = 4


def _mlp_body(f_ref, np_ref, c_ref, w1p_ref, t_ref, t2g_ref, s_ref,
              w2_ref, lanep_ref, x_ref, lin_ref):
    hi = jax.lax.Precision.DEFAULT
    f = f_ref[...]
    xc = jnp.dot(f, w1p_ref[...], precision=hi)
    var_g = jnp.dot(xc * xc, t_ref[...], precision=hi)
    scale_g = lax.rsqrt(var_g + EPS)
    scale = jnp.dot(scale_g, t2g_ref[...], precision=hi)
    xr = jnp.maximum(xc * scale, 0.0)
    npts = np_ref[...]
    xm = jnp.where(lanep_ref[...] < npts, xr, 0.0)
    pooled_pre = jnp.dot(xm, s_ref[...], precision=hi)
    xc2 = jnp.dot(pooled_pre, w2_ref[...], precision=hi)
    var2 = jnp.mean(xc2 * xc2, axis=1, keepdims=True)
    x_ref[...] = xc2 * lax.rsqrt(var2 + EPS)
    c = c_ref[...]
    lin_ref[...] = (((c[:, 0:1] * GH + c[:, 1:2]) * GZ + c[:, 3:4]) * GW
                    + c[:, 2:3])


def _tc_mlp(feats2d, npts2d, coords, w1p, t, t2g, s, w2, lanep,
            interpret=False):
    bcast = lambda shape: pl.BlockSpec(shape, lambda i: (0,) * len(shape))
    return pl.pallas_call(
        _mlp_body,
        grid=(NBLK,),
        in_specs=[
            pl.BlockSpec((BV, P * IN_DIM), lambda i: (i, 0)),
            pl.BlockSpec((BV, 1), lambda i: (i, 0)),
            pl.BlockSpec((BV, 4), lambda i: (i, 0)),
            bcast((P * IN_DIM, PH)),
            bcast((PH, P)),
            bcast((P, PH)),
            bcast((PH, HID)),
            bcast((HID, OUT)),
            bcast((1, PH)),
        ],
        out_specs=[
            pl.BlockSpec((BV, OUT), lambda i: (i, 0)),
            pl.BlockSpec((BV, 1), lambda i: (i, 0)),
        ],
        out_shape=[
            jax.ShapeDtypeStruct((V, OUT), jnp.float32),
            jax.ShapeDtypeStruct((V, 1), jnp.int32),
        ],
        interpret=interpret,
    )(feats2d, npts2d, coords, w1p, t, t2g, s, w2, lanep)


def _sc_body(x_hbm, lin_hbm, dense_hbm,
             linwin, klin, kv, sklin, skv, rows, counts, pstarts, pbuf,
             sem_g, sem_s):
    wid = lax.axis_index("s") * 2 + lax.axis_index("c")
    elem0 = wid * (NCELL * OUT // NW)
    zero16 = jnp.zeros((16,), jnp.float32)
    zero16i = jnp.zeros((16,), jnp.int32)

    def _z(i, _):
        pbuf[pl.ds(i * 16, 16)] = zero16
        return 0
    lax.fori_loop(0, (NRING * PLANE) // 16, _z, 0)
    def _zc(i, _):
        counts[pl.ds(i * 16, 16)] = zero16i
        return 0
    lax.fori_loop(0, 272 // 16, _zc, 0)

    def _vec(i, off, wbase):
        lv = linwin[pl.ds(i * 16, 16)]
        mine = (lv >> 16) == wid
        vvec = wbase + lax.iota(jnp.int32, 16) + i * 16
        plsc.store_compressed(klin.at[pl.ds(off, 16)], lv, mask=mine)
        plsc.store_compressed(kv.at[pl.ds(off, 16)], vvec, mask=mine)
        cnt = plsc.all_reduce_population_count(mine)
        return off + cnt[0]

    def _vec5(jj, off, wbase):
        for u in range(5):
            off = _vec(jj * 5 + u, off, wbase)
        return off

    def _win(w, off):
        pltpu.sync_copy(lin_hbm.at[pl.ds(w * WIN, WIN)], linwin)
        return lax.fori_loop(0, VECS // 5, lambda jj, o: _vec5(jj, o, w * WIN),
                             off)

    n = lax.fori_loop(0, NWIN, _win, jnp.int32(0))

    nvec = (n + 15) // 16
    lane = lax.iota(jnp.int32, 16)

    def _cnt(i, _):
        lp = (klin[pl.ds(i * 16, 16)] >> 8) & 255
        m = lane < (n - i * 16)
        run, last = plsc.scan_count(lp, mask=m)
        plsc.addupdate_scatter(counts, [lp], run, mask=last & m)
        return 0
    lax.fori_loop(0, nvec, _cnt, 0)

    def _pfx(i, carry):
        c16 = counts[pl.ds(i * 16, 16)]
        cum = plsc.cumsum(c16)
        pstarts[pl.ds(i * 16, 16)] = carry + cum - c16
        return carry + cum[15]
    tot = lax.fori_loop(0, 16, _pfx, jnp.int32(0))
    pstarts[pl.ds(256, 16)] = jnp.full((16,), tot, jnp.int32)
    def _cp(i, _):
        counts[pl.ds(i * 16, 16)] = pstarts[pl.ds(i * 16, 16)]
        return 0
    lax.fori_loop(0, 16, _cp, 0)

    def _place(i, _):
        k16 = klin[pl.ds(i * 16, 16)]
        v16 = kv[pl.ds(i * 16, 16)]
        lp = (k16 >> 8) & 255
        m = lane < (n - i * 16)
        run, last = plsc.scan_count(lp, mask=m)
        cur = plsc.load_gather(counts, [lp])
        pos = cur + run - 1
        plsc.store_scatter(sklin, [pos], k16, mask=m)
        plsc.store_scatter(skv, [pos], v16, mask=m)
        plsc.addupdate_scatter(counts, [lp], run, mask=last & m)
        return 0
    lax.fori_loop(0, nvec, _place, 0)

    for i in range(8):
        skv[pl.ds(n + i * 16, 16)] = zero16i

    nch = (n + 127) // 128

    def _fg(c, _):
        pltpu.async_copy(x_hbm.at[skv.at[pl.ds(c * 128, 128)]],
                         rows.at[pl.ds(c * 128, 128)], sem_g)
        return 0
    lax.fori_loop(0, nch, _fg, 0)

    def _dg(c, _):
        pltpu.make_async_copy(x_hbm.at[skv.at[pl.ds(0, 128)]],
                              rows.at[pl.ds(0, 128)], sem_g).wait()
        return 0
    lax.fori_loop(0, nch, _dg, 0)

    offc = (lane // 8) * 2048 + (lane % 8) * 128
    rowsf = rows

    def _emit_one(w, slotbase):
        k16 = sklin[pl.ds(w, 16)]
        iy = k16[0] & 255
        idx16 = slotbase + (iy >> 7) * 1024 + (iy & 127) + offc
        plsc.store_scatter(pbuf, [idx16], rowsf[w, :])
        return slotbase

    def _clear_one(w, slotbase):
        k16 = sklin[pl.ds(w, 16)]
        iy = k16[0] & 255
        idx16 = slotbase + (iy >> 7) * 1024 + (iy & 127) + offc
        plsc.store_scatter(pbuf, [idx16], zero16)
        return slotbase

    def _plane(p, _):
        slot = p % NRING
        slotbase = slot * PLANE
        s16 = pstarts[pl.ds(p, 16)]
        a, b = s16[0], s16[1]

        @pl.when(p >= NRING)
        def _():
            pltpu.make_async_copy(
                pbuf.at[pl.ds(slotbase, PLANE)],
                dense_hbm.at[pl.ds(elem0 + (p - NRING) * PLANE, PLANE)],
                sem_s).wait()
            q16 = pstarts[pl.ds(p - NRING, 16)]
            lax.fori_loop(q16[0], q16[1], _clear_one, slotbase)

        lax.fori_loop(a, b, _emit_one, slotbase)
        pltpu.async_copy(pbuf.at[pl.ds(slotbase, PLANE)],
                         dense_hbm.at[pl.ds(elem0 + p * PLANE, PLANE)],
                         sem_s)
        return 0
    lax.fori_loop(0, PPW, _plane, 0)

    def _dtail(i, _):
        pltpu.make_async_copy(pbuf.at[pl.ds(0, PLANE)],
                              dense_hbm.at[pl.ds(elem0, PLANE)],
                              sem_s).wait()
        return 0
    lax.fori_loop(0, NRING, _dtail, 0)


def _sc_scatter(x, lin, interpret=False):
    mesh = plsc.VectorSubcoreMesh(core_axis_name="c", subcore_axis_name="s")
    f = pl.kernel(
        _sc_body,
        out_type=jax.ShapeDtypeStruct((NCELL * OUT,), jnp.float32),
        mesh=mesh,
        scratch_types=[
            pltpu.VMEM((WIN,), jnp.int32),
            pltpu.VMEM((CAPR + 128,), jnp.int32),
            pltpu.VMEM((CAPR + 128,), jnp.int32),
            pltpu.VMEM((CAPR + 128,), jnp.int32),
            pltpu.VMEM((CAPR + 128,), jnp.int32),
            pltpu.VMEM((CAPR, OUT), jnp.float32),
            pltpu.VMEM((272,), jnp.int32),
            pltpu.VMEM((288,), jnp.int32),
            pltpu.VMEM((NRING * PLANE,), jnp.float32),
            pltpu.SemaphoreType.DMA,
            pltpu.SemaphoreType.DMA,
        ],
        compiler_params=pltpu.CompilerParams(
            needs_layout_passes=False, use_tc_tiling_on_sc=False),
        interpret=interpret,
    )
    return f(x, lin)


def kernel(features, num_points, coords, batch_size, grid_h, grid_w, grid_z,
           W1, b1, g1, be1, W2, b2, g2, be2):
    del batch_size, grid_h, grid_w, grid_z
    feats2d = features.reshape(V, P * IN_DIM)
    npts2d = num_points.reshape(V, 1)

    eye_p = jnp.eye(P, dtype=jnp.float32)
    w1p0 = jnp.einsum("pq,ih->piqh", eye_p, W1).reshape(P * IN_DIM, PH)
    t = jnp.repeat(jnp.eye(P, dtype=jnp.float32), HID, axis=0) / HID
    t2 = jnp.repeat(jnp.eye(P, dtype=jnp.float32), HID, axis=1)
    w1p = w1p0 - (w1p0 @ t) @ t2
    t2g = t2 * jnp.tile(g1, P)[None, :]
    s = jnp.tile(jnp.eye(HID, dtype=jnp.float32), (P, 1))
    w2c = W2 @ (jnp.eye(OUT, dtype=jnp.float32)
                - jnp.ones((OUT, OUT), jnp.float32) / OUT)
    lanep = (jnp.arange(PH, dtype=jnp.int32) // HID).reshape(1, PH)

    x, lin = _tc_mlp(feats2d, npts2d, coords, w1p, t, t2g, s, w2c, lanep)
    buf = _sc_scatter(x, lin.reshape(V))
    t7 = buf.reshape(B, GH, GZ, 2, 2, 8, 128)
    return jnp.transpose(t7, (0, 1, 4, 6, 2, 3, 5)).reshape(
        B, GH, GW, GZ, OUT)

# --- scband reference (transcript-rebuilt; emitter-appended) ---
"""Pipeline reference for scband-dense-voxel-point-net-51659866636804 (READ-ONLY COPY).

The authoritative reference and input builder live on the scoring server;
editing this copy changes nothing except your own understanding.
"""

import jax, jax.numpy as jnp
import numpy as np

EPS = 1e-5

def layer_norm(x, g, b):
    mu = jnp.mean(x, axis=-1, keepdims=True)
    var = jnp.mean((x - mu) ** 2, axis=-1, keepdims=True)
    return (x - mu) / jnp.sqrt(var + EPS) * g + b

def setup_inputs(seed: int = 0) -> dict:
    key = jax.random.key(seed)
    ks = jax.random.split(key, 10)
    V, P, IN_DIM, HID, OUT = 60000, 20, 4, 16, 16
    B, GH, GW, GZ = 2, 256, 256, 16
    features = jax.random.normal(ks[0], (V, P, IN_DIM), dtype=jnp.float32)
    num_points = jax.random.randint(ks[1], (V,), 1, P + 1, dtype=jnp.int32)
    b_idx = jax.random.randint(ks[2], (V,), 0, B, dtype=jnp.int32)
    ix = jax.random.randint(ks[3], (V,), 0, GH, dtype=jnp.int32)
    iy = jax.random.randint(ks[4], (V,), 0, GW, dtype=jnp.int32)
    iz = jax.random.randint(ks[5], (V,), 0, GZ, dtype=jnp.int32)
    coords = jnp.stack([b_idx, ix, iy, iz], axis=1)
    W1 = jax.random.normal(ks[6], (IN_DIM, HID), dtype=jnp.float32) * 0.5
    b1 = jnp.zeros((HID,), jnp.float32)
    g1 = jnp.ones((HID,), jnp.float32)
    be1 = jnp.zeros((HID,), jnp.float32)
    W2 = jax.random.normal(ks[7], (HID, OUT), dtype=jnp.float32) * 0.25
    b2 = jnp.zeros((OUT,), jnp.float32)
    g2 = jnp.ones((OUT,), jnp.float32)
    be2 = jnp.zeros((OUT,), jnp.float32)
    return {"features": features, "num_points": num_points, "coords": coords,
            "batch_size": B, "grid_h": GH, "grid_w": GW, "grid_z": GZ,
            "W1": W1, "b1": b1, "g1": g1, "be1": be1,
            "W2": W2, "b2": b2, "g2": g2, "be2": be2}

def reference(features, num_points, coords, batch_size, grid_h, grid_w, grid_z,
              W1, b1, g1, be1, W2, b2, g2, be2):
    V, P, _ = features.shape
    mask = (jnp.arange(P)[None, :] < num_points[:, None])
    x = features @ W1 + b1
    x = layer_norm(x, g1, be1)
    x = jax.nn.relu(x)
    x = x @ W2 + b2
    x = x * mask[..., None].astype(x.dtype)
    x = jnp.sum(x, axis=1)
    x = layer_norm(x, g2, be2)
    out_dim = x.shape[-1]
    B, GH, GW, GZ = 2, 256, 256, 16
    grid_zero = (jnp.asarray(batch_size, x.dtype) + jnp.asarray(grid_h, x.dtype)
                 + jnp.asarray(grid_w, x.dtype) + jnp.asarray(grid_z, x.dtype)) * 0
    dense = jnp.zeros((B, GH, GW, GZ, out_dim), dtype=x.dtype) + grid_zero
    dense = dense.at[coords[:, 0], coords[:, 1], coords[:, 2], coords[:, 3]].set(x)
    return dense

if __name__ == "__main__":
    import jax
    _d = setup_inputs()
    print(jax.jit(kernel)(*tuple(_d.values())))

</pallas_src>

<mosaic_0001>
#map = affine_map<(d0, d1) -> (0, 0)>
#map1 = affine_map<(d0, d1) -> (0)>
module attributes {stable_mosaic.version = 14 : i64} {
  func.func @_sc_body(%arg0: i32, %arg1: i32, %arg2: memref<60000x16xf32, #tpu.memory_space<hbm>>, %arg3: memref<60000xi32, #tpu.memory_space<hbm>>, %arg4: memref<33554432xf32, #tpu.memory_space<hbm>>, %arg5: memref<4000xi32, #tpu.memory_space<vmem>>, %arg6: memref<3200xi32, #tpu.memory_space<vmem>>, %arg7: memref<3200xi32, #tpu.memory_space<vmem>>, %arg8: memref<3200xi32, #tpu.memory_space<vmem>>, %arg9: memref<3200xi32, #tpu.memory_space<vmem>>, %arg10: memref<3072x16xf32, #tpu.memory_space<vmem>>, %arg11: memref<272xi32, #tpu.memory_space<vmem>>, %arg12: memref<288xi32, #tpu.memory_space<vmem>>, %arg13: memref<16384xf32, #tpu.memory_space<vmem>>, %arg14: memref<!tpu.dma_semaphore, #tpu.memory_space<semaphore_mem>>, %arg15: memref<!tpu.dma_semaphore, #tpu.memory_space<semaphore_mem>>) attributes {dimension_semantics = [#tpu.dimension_semantics<core_parallel>, #tpu.dimension_semantics<subcore_parallel>], iteration_bounds = array<i64: 2, 16>, scalar_prefetch = 0 : i64, scratch_operands = 11 : i64, tpu.core_type = #tpu.core_type<sc_vector_subcore>, window_params = [{transform_indices = #map}, {transform_indices = #map1}, {transform_indices = #map1}]} {
    %mul3A = arith.constant 2 : i32
    %mul3A_0 = arith.muli %arg1, %mul3A : i32
    %add3A = arith.addi %mul3A_0, %arg0 : i32
    %mul3A_1 = arith.constant 1048576 : i32
    %mul3A_2 = arith.muli %add3A, %mul3A_1 : i32
    %broadcast_in_dim3A = arith.constant 0.000000e+00 : f32
    %broadcast_in_dim3A_3 = vector.broadcast %broadcast_in_dim3A : f32 to vector<16xf32>
    %broadcast_in_dim3A_4 = arith.constant 0 : i32
    %broadcast_in_dim3A_5 = vector.broadcast %broadcast_in_dim3A_4 : i32 to vector<16xi32>
    %scan3A = arith.constant 0 : i32
    %scan3A_6 = arith.constant 0 : i32
    %scan3A_7 = arith.constant 1024 : i32
    %scan3A_8 = arith.addi %scan3A_6, %scan3A_7 : i32
    %scan3A_9 = arith.constant 1 : i32
    %scan3A_10 = scf.for %scan3A_237 = %scan3A_6 to %scan3A_8 step %scan3A_9 iter_args(%scan3A_238 = %scan3A) -> (i32)  : i32 {
      %mul3A_239 = arith.constant 16 : i32
      %mul3A_240 = arith.muli %scan3A_237, %mul3A_239 : i32
      %swap3A_241 = arith.index_cast %mul3A_240 : i32 to index
      %swap3A_242 = tpu.vector_load %arg13[%swap3A_241] {strides = array<i32>} : memref<16384xf32, #tpu.memory_space<vmem>>, vector<16xf32>,
      tpu.vector_store %arg13[%swap3A_241], %broadcast_in_dim3A_3 {strides = array<i32>} : memref<16384xf32, #tpu.memory_space<vmem>>, vector<16xf32>,
      %scan3A_243 = arith.constant 0 : i32
      scf.yield %scan3A_243 : i32
    }
    %scan3A_11 = arith.constant 1024 : i32
    %scan3A_12 = arith.constant 0 : i32
    %scan3A_13 = arith.constant 0 : i32
    %scan3A_14 = arith.constant 17 : i32
    %scan3A_15 = arith.addi %scan3A_13, %scan3A_14 : i32
    %scan3A_16 = arith.constant 1 : i32
    %scan3A_17 = scf.for %scan3A_237 = %scan3A_13 to %scan3A_15 step %scan3A_16 iter_args(%scan3A_238 = %scan3A_12) -> (i32)  : i32 {
      %mul3A_239 = arith.constant 16 : i32
      %mul3A_240 = arith.muli %scan3A_237, %mul3A_239 : i32
      %swap3A_241 = arith.index_cast %mul3A_240 : i32 to index
      %swap3A_242 = tpu.vector_load %arg11[%swap3A_241] {strides = array<i32>} : memref<272xi32, #tpu.memory_space<vmem>>, vector<16xi32>,
      tpu.vector_store %arg11[%swap3A_241], %broadcast_in_dim3A_5 {strides = array<i32>} : memref<272xi32, #tpu.memory_space<vmem>>, vector<16xi32>,
      %scan3A_243 = arith.constant 0 : i32
      scf.yield %scan3A_243 : i32
    }
    %scan3A_18 = arith.constant 17 : i32
    %scan3A_19 = arith.constant 0 : i32
    %scan3A_20 = arith.constant 0 : i32
    %scan3A_21 = arith.constant 15 : i32
    %scan3A_22 = arith.addi %scan3A_20, %scan3A_21 : i32
    %scan3A_23 = arith.constant 1 : i32
    %scan3A_24 = scf.for %scan3A_237 = %scan3A_20 to %scan3A_22 step %scan3A_23 iter_args(%scan3A_238 = %scan3A_19) -> (i32)  : i32 {
      %mul3A_239 = arith.constant 4000 : i32
      %mul3A_240 = arith.muli %scan3A_237, %mul3A_239 : i32
      "tpu.region"() ({
        %run_scoped3A = tpu.sem_alloc : memref<!tpu.dma_semaphore, #tpu.memory_space<semaphore_mem>>
        %dma_start3A = tpu.memref_slice %arg3[%mul3A_240] : memref<60000xi32, #tpu.memory_space<hbm>> -> memref<4000xi32, #tpu.memory_space<hbm>>
        %dma_start3A_247 = tpu.memref_slice %arg3[%mul3A_240] : memref<60000xi32, #tpu.memory_space<hbm>> -> memref<4000xi32, #tpu.memory_space<hbm>>
        tpu.enqueue_dma source(%dma_start3A_247 : memref<4000xi32, #tpu.memory_space<hbm>>) target(%arg5 : memref<4000xi32, #tpu.memory_space<vmem>>) target_semaphore(%run_scoped3A : memref<!tpu.dma_semaphore, #tpu.memory_space<semaphore_mem>>)
        %dma_wait3A = tpu.memref_slice %arg3[%mul3A_240] : memref<60000xi32, #tpu.memory_space<hbm>> -> memref<4000xi32, #tpu.memory_space<hbm>>
        %dma_wait3A_248 = tpu.memref_slice %arg3[%mul3A_240] : memref<60000xi32, #tpu.memory_space<hbm>> -> memref<4000xi32, #tpu.memory_space<hbm>>
        tpu.wait_dma2 semaphore(%run_scoped3A : memref<!tpu.dma_semaphore, #tpu.memory_space<semaphore_mem>>) src(%dma_wait3A_248 : memref<4000xi32, #tpu.memory_space<hbm>>) dst(%arg5 : memref<4000xi32, #tpu.memory_space<vmem>>)
        tpu.yield
      }) : () -> ()
      %scan3A_241 = arith.constant 0 : i32
      %scan3A_242 = arith.constant 50 : i32
      %scan3A_243 = arith.addi %scan3A_241, %scan3A_242 : i32
      %scan3A_244 = arith.constant 1 : i32
      %scan3A_245 = scf.for %scan3A_247 = %scan3A_241 to %scan3A_243 step %scan3A_244 iter_args(%scan3A_248 = %scan3A_238) -> (i32)  : i32 {
        %mul3A_249 = arith.constant 4000 : i32
        %mul3A_250 = arith.muli %scan3A_237, %mul3A_249 : i32
        %mul3A_251 = arith.constant 5 : i32
        %mul3A_252 = arith.muli %scan3A_247, %mul3A_251 : i32
        %add3A_253 = arith.constant 0 : i32
        %add3A_254 = arith.addi %mul3A_252, %add3A_253 : i32
        %mul3A_255 = arith.constant 16 : i32
        %mul3A_256 = arith.muli %add3A_254, %mul3A_255 : i32
        %get3A = arith.index_cast %mul3A_256 : i32 to index
        %get3A_257 = tpu.vector_load %arg5[%get3A] {strides = array<i32>} : memref<4000xi32, #tpu.memory_space<vmem>>, vector<16xi32>,
        %shift_right_arithmetic3A = arith.constant 16 : i32
        %shift_right_arithmetic3A_258 = vector.broadcast %shift_right_arithmetic3A : i32 to vector<16xi32>
        %shift_right_arithmetic3A_259 = arith.shrsi %get3A_257, %shift_right_arithmetic3A_258 : vector<16xi32>
        %eq3A_260 = vector.broadcast %add3A : i32 to vector<16xi32>
        %eq3A_261 = arith.cmpi eq, %shift_right_arithmetic3A_259, %eq3A_260 : vector<16xi32>
        %iota3A_262 = tpu.iota {dimensions = array<i32: 0>} : vector<16xi32>
        %add3A_263 = vector.broadcast %mul3A_250 : i32 to vector<16xi32>
        %add3A_264 = arith.addi %add3A_263, %iota3A_262 : vector<16xi32>
        %mul3A_265 = arith.constant 16 : i32
        %mul3A_266 = arith.muli %add3A_254, %mul3A_265 : i32
        %add3A_267 = vector.broadcast %mul3A_266 : i32 to vector<16xi32>
        %add3A_268 = arith.addi %add3A_264, %add3A_267 : vector<16xi32>
        %swap3A_269 = arith.index_cast %scan3A_248 : i32 to index
        %swap3A_270 = tpu.vector_load %arg6[%swap3A_269] masked %eq3A_261 {strides = array<i32>} : memref<3200xi32, #tpu.memory_space<vmem>>, vector<16xi32>, vector<16xi1>
        tpu.vector_store %arg6[%swap3A_269], %get3A_257 masked %eq3A_261 {strides = array<i32>} : memref<3200xi32, #tpu.memory_space<vmem>>, vector<16xi32>, vector<16xi1>
        %swap3A_271 = arith.index_cast %scan3A_248 : i32 to index
        %swap3A_272 = tpu.vector_load %arg7[%swap3A_271] masked %eq3A_261 {strides = array<i32>} : memref<3200xi32, #tpu.memory_space<vmem>>, vector<16xi32>, vector<16xi1>
        tpu.vector_store %arg7[%swap3A_271], %add3A_268 masked %eq3A_261 {strides = array<i32>} : memref<3200xi32, #tpu.memory_space<vmem>>, vector<16xi32>, vector<16xi1>
        %all_reduce_population_count3A = tpu.all_reduce %eq3A_261 {dim = 0 : i64, kind = #tpu.reduction_kind<sum>} : vector<16xi1> -> vector<16xi32>
        %slice3A = vector.extract_strided_slice %all_reduce_population_count3A {offsets = [0], sizes = [1], strides = [1]} : vector<16xi32> to vector<1xi32>
        %squeeze3A = vector.extract %slice3A[0] : i32 from vector<1xi32>
        %add3A_273 = arith.addi %scan3A_248, %squeeze3A : i32
        %mul3A_274 = arith.constant 5 : i32
        %mul3A_275 = arith.muli %scan3A_247, %mul3A_274 : i32
        %add3A_276 = arith.constant 1 : i32
        %add3A_277 = arith.addi %mul3A_275, %add3A_276 : i32
        %mul3A_278 = arith.constant 16 : i32
        %mul3A_279 = arith.muli %add3A_277, %mul3A_278 : i32
        %get3A_280 = arith.index_cast %mul3A_279 : i32 to index
        %get3A_281 = tpu.vector_load %arg5[%get3A_280] {strides = array<i32>} : memref<4000xi32, #tpu.memory_space<vmem>>, vector<16xi32>,
        %shift_right_arithmetic3A_282 = arith.constant 16 : i32
        %shift_right_arithmetic3A_283 = vector.broadcast %shift_right_arithmetic3A_282 : i32 to vector<16xi32>
        %shift_right_arithmetic3A_284 = arith.shrsi %get3A_281, %shift_right_arithmetic3A_283 : vector<16xi32>
        %eq3A_285 = vector.broadcast %add3A : i32 to vector<16xi32>
        %eq3A_286 = arith.cmpi eq, %shift_right_arithmetic3A_284, %eq3A_285 : vector<16xi32>
        %iota3A_287 = tpu.iota {dimensions = array<i32: 0>} : vector<16xi32>
        %add3A_288 = vector.broadcast %mul3A_250 : i32 to vector<16xi32>
        %add3A_289 = arith.addi %add3A_288, %iota3A_287 : vector<16xi32>
        %mul3A_290 = arith.constant 16 : i32
        %mul3A_291 = arith.muli %add3A_277, %mul3A_290 : i32
        %add3A_292 = vector.broadcast %mul3A_291 : i32 to vector<16xi32>
        %add3A_293 = arith.addi %add3A_289, %add3A_292 : vector<16xi32>
        %swap3A_294 = arith.index_cast %add3A_273 : i32 to index
        %swap3A_295 = tpu.vector_load %arg6[%swap3A_294] masked %eq3A_286 {strides = array<i32>} : memref<3200xi32, #tpu.memory_space<vmem>>, vector<16xi32>, vector<16xi1>
        tpu.vector_store %arg6[%swap3A_294], %get3A_281 masked %eq3A_286 {strides = array<i32>} : memref<3200xi32, #tpu.memory_space<vmem>>, vector<16xi32>, vector<16xi1>
        %swap3A_296 = arith.index_cast %add3A_273 : i32 to index
        %swap3A_297 = tpu.vector_load %arg7[%swap3A_296] masked %eq3A_286 {strides = array<i32>} : memref<3200xi32, #tpu.memory_space<vmem>>, vector<16xi32>, vector<16xi1>
        tpu.vector_store %arg7[%swap3A_296], %add3A_293 masked %eq3A_286 {strides = array<i32>} : memref<3200xi32, #tpu.memory_space<vmem>>, vector<16xi32>, vector<16xi1>
        %all_reduce_population_count3A_298 = tpu.all_reduce %eq3A_286 {dim = 0 : i64, kind = #tpu.reduction_kind<sum>} : vector<16xi1> -> vector<16xi32>
        %slice3A_299 = vector.extract_strided_slice %all_reduce_population_count3A_298 {offsets = [0], sizes = [1], strides = [1]} : vector<16xi32> to vector<1xi32>
        %squeeze3A_300 = vector.extract %slice3A_299[0] : i32 from vector<1xi32>
        %add3A_301 = arith.addi %add3A_273, %squeeze3A_300 : i32
        %mul3A_302 = arith.constant 5 : i32
        %mul3A_303 = arith.muli %scan3A_247, %mul3A_302 : i32
        %add3A_304 = arith.constant 2 : i32
        %add3A_305 = arith.addi %mul3A_303, %add3A_304 : i32
        %mul3A_306 = arith.constant 16 : i32
        %mul3A_307 = arith.muli %add3A_305, %mul3A_306 : i32
        %get3A_308 = arith.index_cast %mul3A_307 : i32 to index
        %get3A_309 = tpu.vector_load %arg5[%get3A_308] {strides = array<i32>} : memref<4000xi32, #tpu.memory_space<vmem>>, vector<16xi32>,
        %shift_right_arithmetic3A_310 = arith.constant 16 : i32
        %shift_right_arithmetic3A_311 = vector.broadcast %shift_right_arithmetic3A_310 : i32 to vector<16xi32>
        %shift_right_arithmetic3A_312 = arith.shrsi %get3A_309, %shift_right_arithmetic3A_311 : vector<16xi32>
        %eq3A_313 = vector.broadcast %add3A : i32 to vector<16xi32>
        %eq3A_314 = arith.cmpi eq, %shift_right_arithmetic3A_312, %eq3A_313 : vector<16xi32>
        %iota3A_315 = tpu.iota {dimensions = array<i32: 0>} : vector<16xi32>
        %add3A_316 = vector.broadcast %mul3A_250 : i32 to vector<16xi32>
        %add3A_317 = arith.addi %add3A_316, %iota3A_315 : vector<16xi32>
        %mul3A_318 = arith.constant 16 : i32
        %mul3A_319 = arith.muli %add3A_305, %mul3A_318 : i32
        %add3A_320 = vector.broadcast %mul3A_319 : i32 to vector<16xi32>
        %add3A_321 = arith.addi %add3A_317, %add3A_320 : vector<16xi32>
        %swap3A_322 = arith.index_cast %add3A_301 : i32 to index
        %swap3A_323 = tpu.vector_load %arg6[%swap3A_322] masked %eq3A_314 {strides = array<i32>} : memref<3200xi32, #tpu.memory_space<vmem>>, vector<16xi32>, vector<16xi1>
        tpu.vector_store %arg6[%swap3A_322], %get3A_309 masked %eq3A_314 {strides = array<i32>} : memref<3200xi32, #tpu.memory_space<vmem>>, vector<16xi32>, vector<16xi1>
        %swap3A_324 = arith.index_cast %add3A_301 : i32 to index
        %swap3A_325 = tpu.vector_load %arg7[%swap3A_324] masked %eq3A_314 {strides = array<i32>} : memref<3200xi32, #tpu.memory_space<vmem>>, vector<16xi32>, vector<16xi1>
        tpu.vector_store %arg7[%swap3A_324], %add3A_321 masked %eq3A_314 {strides = array<i32>} : memref<3200xi32, #tpu.memory_space<vmem>>, vector<16xi32>, vector<16xi1>
        %all_reduce_population_count3A_326 = tpu.all_reduce %eq3A_314 {dim = 0 : i64, kind = #tpu.reduction_kind<sum>} : vector<16xi1> -> vector<16xi32>
        %slice3A_327 = vector.extract_strided_slice %all_reduce_population_count3A_326 {offsets = [0], sizes = [1], strides = [1]} : vector<16xi32> to vector<1xi32>
        %squeeze3A_328 = vector.extract %slice3A_327[0] : i32 from vector<1xi32>
        %add3A_329 = arith.addi %add3A_301, %squeeze3A_328 : i32
        %mul3A_330 = arith.constant 5 : i32
        %mul3A_331 = arith.muli %scan3A_247, %mul3A_330 : i32
        %add3A_332 = arith.constant 3 : i32
        %add3A_333 = arith.addi %mul3A_331, %add3A_332 : i32
        %mul3A_334 = arith.constant 16 : i32
        %mul3A_335 = arith.muli %add3A_333, %mul3A_334 : i32
        %get3A_336 = arith.index_cast %mul3A_335 : i32 to index
        %get3A_337 = tpu.vector_load %arg5[%get3A_336] {strides = array<i32>} : memref<4000xi32, #tpu.memory_space<vmem>>, vector<16xi32>,
        %shift_right_arithmetic3A_338 = arith.constant 16 : i32
        %shift_right_arithmetic3A_339 = vector.broadcast %shift_right_arithmetic3A_338 : i32 to vector<16xi32>
        %shift_right_arithmetic3A_340 = arith.shrsi %get3A_337, %shift_right_arithmetic3A_339 : vector<16xi32>
        %eq3A_341 = vector.broadcast %add3A : i32 to vector<16xi32>
        %eq3A_342 = arith.cmpi eq, %shift_right_arithmetic3A_340, %eq3A_341 : vector<16xi32>
        %iota3A_343 = tpu.iota {dimensions = array<i32: 0>} : vector<16xi32>
        %add3A_344 = vector.broadcast %mul3A_250 : i32 to vector<16xi32>
        %add3A_345 = arith.addi %add3A_344, %iota3A_343 : vector<16xi32>
        %mul3A_346 = arith.constant 16 : i32
        %mul3A_347 = arith.muli %add3A_333, %mul3A_346 : i32
        %add3A_348 = vector.broadcast %mul3A_347 : i32 to vector<16xi32>
        %add3A_349 = arith.addi %add3A_345, %add3A_348 : vector<16xi32>
        %swap3A_350 = arith.index_cast %add3A_329 : i32 to index
        %swap3A_351 = tpu.vector_load %arg6[%swap3A_350] masked %eq3A_342 {strides = array<i32>} : memref<3200xi32, #tpu.memory_space<vmem>>, vector<16xi32>, vector<16xi1>
        tpu.vector_store %arg6[%swap3A_350], %get3A_337 masked %eq3A_342 {strides = array<i32>} : memref<3200xi32, #tpu.memory_space<vmem>>, vector<16xi32>, vector<16xi1>
        %swap3A_352 = arith.index_cast %add3A_329 : i32 to index
        %swap3A_353 = tpu.vector_load %arg7[%swap3A_352] masked %eq3A_342 {strides = array<i32>} : memref<3200xi32, #tpu.memory_space<vmem>>, vector<16xi32>, vector<16xi1>
        tpu.vector_store %arg7[%swap3A_352], %add3A_349 masked %eq3A_342 {strides = array<i32>} : memref<3200xi32, #tpu.memory_space<vmem>>, vector<16xi32>, vector<16xi1>
        %all_reduce_population_count3A_354 = tpu.all_reduce %eq3A_342 {dim = 0 : i64, kind = #tpu.reduction_kind<sum>} : vector<16xi1> -> vector<16xi32>
        %slice3A_355 = vector.extract_strided_slice %all_reduce_population_count3A_354 {offsets = [0], sizes = [1], strides = [1]} : vector<16xi32> to vector<1xi32>
        %squeeze3A_356 = vector.extract %slice3A_355[0] : i32 from vector<1xi32>
        %add3A_357 = arith.addi %add3A_329, %squeeze3A_356 : i32
        %mul3A_358 = arith.constant 5 : i32
        %mul3A_359 = arith.muli %scan3A_247, %mul3A_358 : i32
        %add3A_360 = arith.constant 4 : i32
        %add3A_361 = arith.addi %mul3A_359, %add3A_360 : i32
        %mul3A_362 = arith.constant 16 : i32
        %mul3A_363 = arith.muli %add3A_361, %mul3A_362 : i32
        %get3A_364 = arith.index_cast %mul3A_363 : i32 to index
        %get3A_365 = tpu.vector_load %arg5[%get3A_364] {strides = array<i32>} : memref<4000xi32, #tpu.memory_space<vmem>>, vector<16xi32>,
        %shift_right_arithmetic3A_366 = arith.constant 16 : i32
        %shift_right_arithmetic3A_367 = vector.broadcast %shift_right_arithmetic3A_366 : i32 to vector<16xi32>
        %shift_right_arithmetic3A_368 = arith.shrsi %get3A_365, %shift_right_arithmetic3A_367 : vector<16xi32>
        %eq3A_369 = vector.broadcast %add3A : i32 to vector<16xi32>
        %eq3A_370 = arith.cmpi eq, %shift_right_arithmetic3A_368, %eq3A_369 : vector<16xi32>
        %iota3A_371 = tpu.iota {dimensions = array<i32: 0>} : vector<16xi32>
        %add3A_372 = vector.broadcast %mul3A_250 : i32 to vector<16xi32>
        %add3A_373 = arith.addi %add3A_372, %iota3A_371 : vector<16xi32>
        %mul3A_374 = arith.constant 16 : i32
        %mul3A_375 = arith.muli %add3A_361, %mul3A_374 : i32
        %add3A_376 = vector.broadcast %mul3A_375 : i32 to vector<16xi32>
        %add3A_377 = arith.addi %add3A_373, %add3A_376 : vector<16xi32>
        %swap3A_378 = arith.index_cast %add3A_357 : i32 to index
        %swap3A_379 = tpu.vector_load %arg6[%swap3A_378] masked %eq3A_370 {strides = array<i32>} : memref<3200xi32, #tpu.memory_space<vmem>>, vector<16xi32>, vector<16xi1>
        tpu.vector_store %arg6[%swap3A_378], %get3A_365 masked %eq3A_370 {strides = array<i32>} : memref<3200xi32, #tpu.memory_space<vmem>>, vector<16xi32>, vector<16xi1>
        %swap3A_380 = arith.index_cast %add3A_357 : i32 to index
        %swap3A_381 = tpu.vector_load %arg7[%swap3A_380] masked %eq3A_370 {strides = array<i32>} : memref<3200xi32, #tpu.memory_space<vmem>>, vector<16xi32>, vector<16xi1>
        tpu.vector_store %arg7[%swap3A_380], %add3A_377 masked %eq3A_370 {strides = array<i32>} : memref<3200xi32, #tpu.memory_space<vmem>>, vector<16xi32>, vector<16xi1>
        %all_reduce_population_count3A_382 = tpu.all_reduce %eq3A_370 {dim = 0 : i64, kind = #tpu.reduction_kind<sum>} : vector<16xi1> -> vector<16xi32>
        %slice3A_383 = vector.extract_strided_slice %all_reduce_population_count3A_382 {offsets = [0], sizes = [1], strides = [1]} : vector<16xi32> to vector<1xi32>
        %squeeze3A_384 = vector.extract %slice3A_383[0] : i32 from vector<1xi32>
        %add3A_385 = arith.addi %add3A_357, %squeeze3A_384 : i32
        scf.yield %add3A_385 : i32
      }
      %scan3A_246 = arith.constant 50 : i32
      scf.yield %scan3A_245 : i32
    }
    %scan3A_25 = arith.constant 15 : i32
    %add3A_26 = arith.constant 15 : i32
    %add3A_27 = arith.addi %scan3A_24, %add3A_26 : i32
    %jit3A = arith.constant 16 : i32
    %div3A = arith.divsi %add3A_27, %jit3A : i32
    %sign3A = arith.constant 0 : i32
    %sign3A_28 = arith.cmpi sgt, %add3A_27, %sign3A : i32
    %sign3A_29 = arith.extui %sign3A_28 : i1 to i32
    %sign3A_30 = arith.constant 0 : i32
    %sign3A_31 = arith.cmpi slt, %add3A_27, %sign3A_30 : i32
    %sign3A_32 = arith.extui %sign3A_31 : i1 to i32
    %sign3A_33 = arith.subi %sign3A_29, %sign3A_32 : i32
    %sign3A_34 = arith.constant 0 : i32
    %sign3A_35 = arith.cmpi sgt, %jit3A, %sign3A_34 : i32
    %sign3A_36 = arith.extui %sign3A_35 : i1 to i32
    %sign3A_37 = arith.constant 0 : i32
    %sign3A_38 = arith.cmpi slt, %jit3A, %sign3A_37 : i32
    %sign3A_39 = arith.extui %sign3A_38 : i1 to i32
    %sign3A_40 = arith.subi %sign3A_36, %sign3A_39 : i32
    %ne3A = arith.cmpi ne, %sign3A_33, %sign3A_40 : i32
    %rem3A = arith.remsi %add3A_27, %jit3A : i32
    %ne3A_41 = arith.constant 0 : i32
    %ne3A_42 = arith.cmpi ne, %rem3A, %ne3A_41 : i32
    %and3A = arith.andi %ne3A, %ne3A_42 : i1
    %sub3A = arith.constant 1 : i32
    %sub3A_43 = arith.subi %div3A, %sub3A : i32
    %select_n3A = arith.select %and3A, %sub3A_43, %div3A : i32
    %iota3A = tpu.iota {dimensions = array<i32: 0>} : vector<16xi32>
    %while3A = arith.constant 0 : i32
    %while3A_44 = arith.constant 0 : i32
    %while3A_45 = arith.subi %select_n3A, %while3A : i32
    %while3A_46 = arith.addi %while3A, %while3A_45 : i32
    %while3A_47 = arith.constant 1 : i32
    %while3A_48 = arith.divsi %while3A_45, %while3A_47 : i32
    %while3A_49 = arith.muli %while3A_48, %while3A_47 : i32
    %while3A_50 = arith.addi %while3A, %while3A_49 : i32
    %while3A_51 = arith.constant 1 : i32
    %while3A_52 = scf.for %while3A_237 = %while3A to %while3A_50 step %while3A_51 iter_args(%while3A_238 = %while3A_44) -> (i32)  : i32 {
      %mul3A_239 = arith.constant 16 : i32
      %mul3A_240 = arith.muli %while3A_237, %mul3A_239 : i32
      %get3A = arith.index_cast %mul3A_240 : i32 to index
      %get3A_241 = tpu.vector_load %arg6[%get3A] {strides = array<i32>} : memref<3200xi32, #tpu.memory_space<vmem>>, vector<16xi32>,
      %shift_right_arithmetic3A = arith.constant 8 : i32
      %shift_right_arithmetic3A_242 = vector.broadcast %shift_right_arithmetic3A : i32 to vector<16xi32>
      %shift_right_arithmetic3A_243 = arith.shrsi %get3A_241, %shift_right_arithmetic3A_242 : vector<16xi32>
      %and3A_244 = arith.constant 255 : i32
      %and3A_245 = vector.broadcast %and3A_244 : i32 to vector<16xi32>
      %and3A_246 = arith.andi %shift_right_arithmetic3A_243, %and3A_245 : vector<16xi32>
      %mul3A_247 = arith.constant 16 : i32
      %mul3A_248 = arith.muli %while3A_237, %mul3A_247 : i32
      %sub3A_249 = arith.subi %scan3A_24, %mul3A_248 : i32
      %lt3A_250 = vector.broadcast %sub3A_249 : i32 to vector<16xi32>
      %lt3A_251 = arith.cmpi slt, %iota3A, %lt3A_250 : vector<16xi32>
      %unique3A, %unique3A_252 = tpu.scan_count mask(%lt3A_251 : vector<16xi1>) value(%and3A_246 : vector<16xi32>) : vector<16xi1>, vector<16xi32>
      %and3A_253 = arith.andi %unique3A, %lt3A_251 : vector<16xi1>
      tpu.vector_store_idx %arg11[%and3A_246], %unique3A_252 masked %and3A_253 {add = true} : memref<272xi32, #tpu.memory_space<vmem>>[vector<16xi32>], vector<16xi32>, vector<16xi1>
      %while3A_254 = arith.constant 0 : i32
      scf.yield %while3A_254 : i32
    }
    %while3A_53 = arith.constant 1 : i32
    %while3A_54 = scf.for %while3A_237 = %while3A_50 to %while3A_46 step %while3A_53 iter_args(%while3A_238 = %while3A_52) -> (i32)  : i32 {
      %mul3A_239 = arith.constant 16 : i32
      %mul3A_240 = arith.muli %while3A_237, %mul3A_239 : i32
      %get3A = arith.index_cast %mul3A_240 : i32 to index
      %get3A_241 = tpu.vector_load %arg6[%get3A] {strides = array<i32>} : memref<3200xi32, #tpu.memory_space<vmem>>, vector<16xi32>,
      %shift_right_arithmetic3A = arith.constant 8 : i32
      %shift_right_arithmetic3A_242 = vector.broadcast %shift_right_arithmetic3A : i32 to vector<16xi32>
      %shift_right_arithmetic3A_243 = arith.shrsi %get3A_241, %shift_right_arithmetic3A_242 : vector<16xi32>
      %and3A_244 = arith.constant 255 : i32
      %and3A_245 = vector.broadcast %and3A_244 : i32 to vector<16xi32>
      %and3A_246 = arith.andi %shift_right_arithmetic3A_243, %and3A_245 : vector<16xi32>
      %mul3A_247 = arith.constant 16 : i32
      %mul3A_248 = arith.muli %while3A_237, %mul3A_247 : i32
      %sub3A_249 = arith.subi %scan3A_24, %mul3A_248 : i32
      %lt3A_250 = vector.broadcast %sub3A_249 : i32 to vector<16xi32>
      %lt3A_251 = arith.cmpi slt, %iota3A, %lt3A_250 : vector<16xi32>
      %unique3A, %unique3A_252 = tpu.scan_count mask(%lt3A_251 : vector<16xi1>) value(%and3A_246 : vector<16xi32>) : vector<16xi1>, vector<16xi32>
      %and3A_253 = arith.andi %unique3A, %lt3A_251 : vector<16xi1>
      tpu.vector_store_idx %arg11[%and3A_246], %unique3A_252 masked %and3A_253 {add = true} : memref<272xi32, #tpu.memory_space<vmem>>[vector<16xi32>], vector<16xi32>, vector<16xi1>
      %while3A_254 = arith.constant 0 : i32
      scf.yield %while3A_254 : i32
    }
    %scan3A_55 = arith.constant 0 : i32
    %scan3A_56 = arith.constant 0 : i32
    %scan3A_57 = arith.constant 16 : i32
    %scan3A_58 = arith.addi %scan3A_56, %scan3A_57 : i32
    %scan3A_59 = arith.constant 1 : i32
    %scan3A_60 = scf.for %scan3A_237 = %scan3A_56 to %scan3A_58 step %scan3A_59 iter_args(%scan3A_238 = %scan3A_55) -> (i32)  : i32 {
      %mul3A_239 = arith.constant 16 : i32
      %mul3A_240 = arith.muli %scan3A_237, %mul3A_239 : i32
      %get3A = arith.index_cast %mul3A_240 : i32 to index
      %get3A_241 = tpu.vector_load %arg11[%get3A] {strides = array<i32>} : memref<272xi32, #tpu.memory_space<vmem>>, vector<16xi32>,
      %broadcast_in_dim3A_242 = arith.constant true
      %broadcast_in_dim3A_243 = vector.broadcast %broadcast_in_dim3A_242 : i1 to vector<16xi1>
      %masked_cumsum3A = tpu.scan <sum>, %get3A_241 masked %broadcast_in_dim3A_243 : vector<16xi32>, vector<16xi1> -> vector<16xi32>
      %add3A_244 = vector.broadcast %scan3A_238 : i32 to vector<16xi32>
      %add3A_245 = arith.addi %add3A_244, %masked_cumsum3A : vector<16xi32>
      %sub3A_246 = arith.subi %add3A_245, %get3A_241 : vector<16xi32>
      %mul3A_247 = arith.constant 16 : i32
      %mul3A_248 = arith.muli %scan3A_237, %mul3A_247 : i32
      %swap3A_249 = arith.index_cast %mul3A_248 : i32 to index
      %swap3A_250 = tpu.vector_load %arg12[%swap3A_249] {strides = array<i32>} : memref<288xi32, #tpu.memory_space<vmem>>, vector<16xi32>,
      tpu.vector_store %arg12[%swap3A_249], %sub3A_246 {strides = array<i32>} : memref<288xi32, #tpu.memory_space<vmem>>, vector<16xi32>,
      %slice3A = vector.extract_strided_slice %masked_cumsum3A {offsets = [15], sizes = [1], strides = [1]} : vector<16xi32> to vector<1xi32>
      %squeeze3A = vector.extract %slice3A[0] : i32 from vector<1xi32>
      %add3A_251 = arith.addi %scan3A_238, %squeeze3A : i32
      scf.yield %add3A_251 : i32
    }
    %scan3A_61 = arith.constant 16 : i32
    %broadcast_in_dim3A_62 = vector.broadcast %scan3A_60 : i32 to vector<16xi32>
    %swap3A = arith.constant 256 : index
    %swap3A_63 = tpu.vector_load %arg12[%swap3A] {strides = array<i32>} : memref<288xi32, #tpu.memory_space<vmem>>, vector<16xi32>,
    tpu.vector_store %arg12[%swap3A], %broadcast_in_dim3A_62 {strides = array<i32>} : memref<288xi32, #tpu.memory_space<vmem>>, vector<16xi32>,
    %scan3A_64 = arith.constant 0 : i32
    %scan3A_65 = arith.constant 0 : i32
    %scan3A_66 = arith.constant 16 : i32
    %scan3A_67 = arith.addi %scan3A_65, %scan3A_66 : i32
    %scan3A_68 = arith.constant 1 : i32
    %scan3A_69 = scf.for %scan3A_237 = %scan3A_65 to %scan3A_67 step %scan3A_68 iter_args(%scan3A_238 = %scan3A_64) -> (i32)  : i32 {
      %mul3A_239 = arith.constant 16 : i32
      %mul3A_240 = arith.muli %scan3A_237, %mul3A_239 : i32
      %get3A = arith.index_cast %mul3A_240 : i32 to index
      %get3A_241 = tpu.vector_load %arg12[%get3A] {strides = array<i32>} : memref<288xi32, #tpu.memory_space<vmem>>, vector<16xi32>,
      %mul3A_242 = arith.constant 16 : i32
      %mul3A_243 = arith.muli %scan3A_237, %mul3A_242 : i32
      %swap3A_244 = arith.index_cast %mul3A_243 : i32 to index
      %swap3A_245 = tpu.vector_load %arg11[%swap3A_244] {strides = array<i32>} : memref<272xi32, #tpu.memory_space<vmem>>, vector<16xi32>,
      tpu.vector_store %arg11[%swap3A_244], %get3A_241 {strides = array<i32>} : memref<272xi32, #tpu.memory_space<vmem>>, vector<16xi32>,
      %scan3A_246 = arith.constant 0 : i32
      scf.yield %scan3A_246 : i32
    }
    %scan3A_70 = arith.constant 16 : i32
    %while3A_71 = arith.constant 0 : i32
    %while3A_72 = arith.constant 0 : i32
    %while3A_73 = arith.subi %select_n3A, %while3A_71 : i32
    %while3A_74 = arith.addi %while3A_71, %while3A_73 : i32
    %while3A_75 = arith.constant 1 : i32
    %while3A_76 = arith.divsi %while3A_73, %while3A_75 : i32
    %while3A_77 = arith.muli %while3A_76, %while3A_75 : i32
    %while3A_78 = arith.addi %while3A_71, %while3A_77 : i32
    %while3A_79 = arith.constant 1 : i32
    %while3A_80 = scf.for %while3A_237 = %while3A_71 to %while3A_78 step %while3A_79 iter_args(%while3A_238 = %while3A_72) -> (i32)  : i32 {
      %mul3A_239 = arith.constant 16 : i32
      %mul3A_240 = arith.muli %while3A_237, %mul3A_239 : i32
      %get3A = arith.index_cast %mul3A_240 : i32 to index
      %get3A_241 = tpu.vector_load %arg6[%get3A] {strides = array<i32>} : memref<3200xi32, #tpu.memory_space<vmem>>, vector<16xi32>,
      %mul3A_242 = arith.constant 16 : i32
      %mul3A_243 = arith.muli %while3A_237, %mul3A_242 : i32
      %get3A_244 = arith.index_cast %mul3A_243 : i32 to index
      %get3A_245 = tpu.vector_load %arg7[%get3A_244] {strides = array<i32>} : memref<3200xi32, #tpu.memory_space<vmem>>, vector<16xi32>,
      %shift_right_arithmetic3A = arith.constant 8 : i32
      %shift_right_arithmetic3A_246 = vector.broadcast %shift_right_arithmetic3A : i32 to vector<16xi32>
      %shift_right_arithmetic3A_247 = arith.shrsi %get3A_241, %shift_right_arithmetic3A_246 : vector<16xi32>
      %and3A_248 = arith.constant 255 : i32
      %and3A_249 = vector.broadcast %and3A_248 : i32 to vector<16xi32>
      %and3A_250 = arith.andi %shift_right_arithmetic3A_247, %and3A_249 : vector<16xi32>
      %mul3A_251 = arith.constant 16 : i32
      %mul3A_252 = arith.muli %while3A_237, %mul3A_251 : i32
      %sub3A_253 = arith.subi %scan3A_24, %mul3A_252 : i32
      %lt3A_254 = vector.broadcast %sub3A_253 : i32 to vector<16xi32>
      %lt3A_255 = arith.cmpi slt, %iota3A, %lt3A_254 : vector<16xi32>
      %unique3A, %unique3A_256 = tpu.scan_count mask(%lt3A_255 : vector<16xi1>) value(%and3A_250 : vector<16xi32>) : vector<16xi1>, vector<16xi32>
      %gather3A = tpu.vector_load_idx %arg11[%and3A_250] : memref<272xi32, #tpu.memory_space<vmem>>[vector<16xi32>], vector<16xi32>,
      %add3A_257 = arith.addi %gather3A, %unique3A_256 : vector<16xi32>
      %sub3A_258 = arith.constant 1 : i32
      %sub3A_259 = vector.broadcast %sub3A_258 : i32 to vector<16xi32>
      %sub3A_260 = arith.subi %add3A_257, %sub3A_259 : vector<16xi32>
      tpu.vector_store_idx %arg8[%sub3A_260], %get3A_241 masked %lt3A_255 : memref<3200xi32, #tpu.memory_space<vmem>>[vector<16xi32>], vector<16xi32>, vector<16xi1>
      tpu.vector_store_idx %arg9[%sub3A_260], %get3A_245 masked %lt3A_255 : memref<3200xi32, #tpu.memory_space<vmem>>[vector<16xi32>], vector<16xi32>, vector<16xi1>
      %and3A_261 = arith.andi %unique3A, %lt3A_255 : vector<16xi1>
      tpu.vector_store_idx %arg11[%and3A_250], %unique3A_256 masked %and3A_261 {add = true} : memref<272xi32, #tpu.memory_space<vmem>>[vector<16xi32>], vector<16xi32>, vector<16xi1>
      %while3A_262 = arith.constant 0 : i32
      scf.yield %while3A_262 : i32
    }
    %while3A_81 = arith.constant 1 : i32
    %while3A_82 = scf.for %while3A_237 = %while3A_78 to %while3A_74 step %while3A_81 iter_args(%while3A_238 = %while3A_80) -> (i32)  : i32 {
      %mul3A_239 = arith.constant 16 : i32
      %mul3A_240 = arith.muli %while3A_237, %mul3A_239 : i32
      %get3A = arith.index_cast %mul3A_240 : i32 to index
      %get3A_241 = tpu.vector_load %arg6[%get3A] {strides = array<i32>} : memref<3200xi32, #tpu.memory_space<vmem>>, vector<16xi32>,
      %mul3A_242 = arith.constant 16 : i32
      %mul3A_243 = arith.muli %while3A_237, %mul3A_242 : i32
      %get3A_244 = arith.index_cast %mul3A_243 : i32 to index
      %get3A_245 = tpu.vector_load %arg7[%get3A_244] {strides = array<i32>} : memref<3200xi32, #tpu.memory_space<vmem>>, vector<16xi32>,
      %shift_right_arithmetic3A = arith.constant 8 : i32
      %shift_right_arithmetic3A_246 = vector.broadcast %shift_right_arithmetic3A : i32 to vector<16xi32>
      %shift_right_arithmetic3A_247 = arith.shrsi %get3A_241, %shift_right_arithmetic3A_246 : vector<16xi32>
      %and3A_248 = arith.constant 255 : i32
      %and3A_249 = vector.broadcast %and3A_248 : i32 to vector<16xi32>
      %and3A_250 = arith.andi %shift_right_arithmetic3A_247, %and3A_249 : vector<16xi32>
      %mul3A_251 = arith.constant 16 : i32
      %mul3A_252 = arith.muli %while3A_237, %mul3A_251 : i32
      %sub3A_253 = arith.subi %scan3A_24, %mul3A_252 : i32
      %lt3A_254 = vector.broadcast %sub3A_253 : i32 to vector<16xi32>
      %lt3A_255 = arith.cmpi slt, %iota3A, %lt3A_254 : vector<16xi32>
      %unique3A, %unique3A_256 = tpu.scan_count mask(%lt3A_255 : vector<16xi1>) value(%and3A_250 : vector<16xi32>) : vector<16xi1>, vector<16xi32>
      %gather3A = tpu.vector_load_idx %arg11[%and3A_250] : memref<272xi32, #tpu.memory_space<vmem>>[vector<16xi32>], vector<16xi32>,
      %add3A_257 = arith.addi %gather3A, %unique3A_256 : vector<16xi32>
      %sub3A_258 = arith.constant 1 : i32
      %sub3A_259 = vector.broadcast %sub3A_258 : i32 to vector<16xi32>
      %sub3A_260 = arith.subi %add3A_257, %sub3A_259 : vector<16xi32>
      tpu.vector_store_idx %arg8[%sub3A_260], %get3A_241 masked %lt3A_255 : memref<3200xi32, #tpu.memory_space<vmem>>[vector<16xi32>], vector<16xi32>, vector<16xi1>
      tpu.vector_store_idx %arg9[%sub3A_260], %get3A_245 masked %lt3A_255 : memref<3200xi32, #tpu.memory_space<vmem>>[vector<16xi32>], vector<16xi32>, vector<16xi1>
      %and3A_261 = arith.andi %unique3A, %lt3A_255 : vector<16xi1>
      tpu.vector_store_idx %arg11[%and3A_250], %unique3A_256 masked %and3A_261 {add = true} : memref<272xi32, #tpu.memory_space<vmem>>[vector<16xi32>], vector<16xi32>, vector<16xi1>
      %while3A_262 = arith.constant 0 : i32
      scf.yield %while3A_262 : i32
    }
    %add3A_83 = arith.constant 0 : i32
    %add3A_84 = arith.addi %scan3A_24, %add3A_83 : i32
    %swap3A_85 = arith.index_cast %add3A_84 : i32 to index
    %swap3A_86 = tpu.vector_load %arg9[%swap3A_85] {strides = array<i32>} : memref<3200xi32, #tpu.memory_space<vmem>>, vector<16xi32>,
    tpu.vector_store %arg9[%swap3A_85], %broadcast_in_dim3A_5 {strides = array<i32>} : memref<3200xi32, #tpu.memory_space<vmem>>, vector<16xi32>,
    %add3A_87 = arith.constant 16 : i32
    %add3A_88 = arith.addi %scan3A_24, %add3A_87 : i32
    %swap3A_89 = arith.index_cast %add3A_88 : i32 to index
    %swap3A_90 = tpu.vector_load %arg9[%swap3A_89] {strides = array<i32>} : memref<3200xi32, #tpu.memory_space<vmem>>, vector<16xi32>,
    tpu.vector_store %arg9[%swap3A_89], %broadcast_in_dim3A_5 {strides = array<i32>} : memref<3200xi32, #tpu.memory_space<vmem>>, vector<16xi32>,
    %add3A_91 = arith.constant 32 : i32
    %add3A_92 = arith.addi %scan3A_24, %add3A_91 : i32
    %swap3A_93 = arith.index_cast %add3A_92 : i32 to index
    %swap3A_94 = tpu.vector_load %arg9[%swap3A_93] {strides = array<i32>} : memref<3200xi32, #tpu.memory_space<vmem>>, vector<16xi32>,
    tpu.vector_store %arg9[%swap3A_93], %broadcast_in_dim3A_5 {strides = array<i32>} : memref<3200xi32, #tpu.memory_space<vmem>>, vector<16xi32>,
    %add3A_95 = arith.constant 48 : i32
    %add3A_96 = arith.addi %scan3A_24, %add3A_95 : i32
    %swap3A_97 = arith.index_cast %add3A_96 : i32 to index
    %swap3A_98 = tpu.vector_load %arg9[%swap3A_97] {strides = array<i32>} : memref<3200xi32, #tpu.memory_space<vmem>>, vector<16xi32>,
    tpu.vector_store %arg9[%swap3A_97], %broadcast_in_dim3A_5 {strides = array<i32>} : memref<3200xi32, #tpu.memory_space<vmem>>, vector<16xi32>,
    %add3A_99 = arith.constant 64 : i32
    %add3A_100 = arith.addi %scan3A_24, %add3A_99 : i32
    %swap3A_101 = arith.index_cast %add3A_100 : i32 to index
    %swap3A_102 = tpu.vector_load %arg9[%swap3A_101] {strides = array<i32>} : memref<3200xi32, #tpu.memory_space<vmem>>, vector<16xi32>,
    tpu.vector_store %arg9[%swap3A_101], %broadcast_in_dim3A_5 {strides = array<i32>} : memref<3200xi32, #tpu.memory_space<vmem>>, vector<16xi32>,
    %add3A_103 = arith.constant 80 : i32
    %add3A_104 = arith.addi %scan3A_24, %add3A_103 : i32
    %swap3A_105 = arith.index_cast %add3A_104 : i32 to index
    %swap3A_106 = tpu.vector_load %arg9[%swap3A_105] {strides = array<i32>} : memref<3200xi32, #tpu.memory_space<vmem>>, vector<16xi32>,
    tpu.vector_store %arg9[%swap3A_105], %broadcast_in_dim3A_5 {strides = array<i32>} : memref<3200xi32, #tpu.memory_space<vmem>>, vector<16xi32>,
    %add3A_107 = arith.constant 96 : i32
    %add3A_108 = arith.addi %scan3A_24, %add3A_107 : i32
    %swap3A_109 = arith.index_cast %add3A_108 : i32 to index
    %swap3A_110 = tpu.vector_load %arg9[%swap3A_109] {strides = array<i32>} : memref<3200xi32, #tpu.memory_space<vmem>>, vector<16xi32>,
    tpu.vector_store %arg9[%swap3A_109], %broadcast_in_dim3A_5 {strides = array<i32>} : memref<3200xi32, #tpu.memory_space<vmem>>, vector<16xi32>,
    %add3A_111 = arith.constant 112 : i32
    %add3A_112 = arith.addi %scan3A_24, %add3A_111 : i32
    %swap3A_113 = arith.index_cast %add3A_112 : i32 to index
    %swap3A_114 = tpu.vector_load %arg9[%swap3A_113] {strides = array<i32>} : memref<3200xi32, #tpu.memory_space<vmem>>, vector<16xi32>,
    tpu.vector_store %arg9[%swap3A_113], %broadcast_in_dim3A_5 {strides = array<i32>} : memref<3200xi32, #tpu.memory_space<vmem>>, vector<16xi32>,
    %add3A_115 = arith.constant 127 : i32
    %add3A_116 = arith.addi %scan3A_24, %add3A_115 : i32
    %jit3A_117 = arith.constant 128 : i32
    %div3A_118 = arith.divsi %add3A_116, %jit3A_117 : i32
    %sign3A_119 = arith.constant 0 : i32
    %sign3A_120 = arith.cmpi sgt, %add3A_116, %sign3A_119 : i32
    %sign3A_121 = arith.extui %sign3A_120 : i1 to i32
    %sign3A_122 = arith.constant 0 : i32
    %sign3A_123 = arith.cmpi slt, %add3A_116, %sign3A_122 : i32
    %sign3A_124 = arith.extui %sign3A_123 : i1 to i32
    %sign3A_125 = arith.subi %sign3A_121, %sign3A_124 : i32
    %sign3A_126 = arith.constant 0 : i32
    %sign3A_127 = arith.cmpi sgt, %jit3A_117, %sign3A_126 : i32
    %sign3A_128 = arith.extui %sign3A_127 : i1 to i32
    %sign3A_129 = arith.constant 0 : i32
    %sign3A_130 = arith.cmpi slt, %jit3A_117, %sign3A_129 : i32
    %sign3A_131 = arith.extui %sign3A_130 : i1 to i32
    %sign3A_132 = arith.subi %sign3A_128, %sign3A_131 : i32
    %ne3A_133 = arith.cmpi ne, %sign3A_125, %sign3A_132 : i32
    %rem3A_134 = arith.remsi %add3A_116, %jit3A_117 : i32
    %ne3A_135 = arith.constant 0 : i32
    %ne3A_136 = arith.cmpi ne, %rem3A_134, %ne3A_135 : i32
    %and3A_137 = arith.andi %ne3A_133, %ne3A_136 : i1
    %sub3A_138 = arith.constant 1 : i32
    %sub3A_139 = arith.subi %div3A_118, %sub3A_138 : i32
    %select_n3A_140 = arith.select %and3A_137, %sub3A_139, %div3A_118 : i32
    %while3A_141 = arith.constant 0 : i32
    %while3A_142 = arith.constant 0 : i32
    %while3A_143 = arith.subi %select_n3A_140, %while3A_141 : i32
    %while3A_144 = arith.addi %while3A_141, %while3A_143 : i32
    %while3A_145 = arith.constant 1 : i32
    %while3A_146 = arith.divsi %while3A_143, %while3A_145 : i32
    %while3A_147 = arith.muli %while3A_146, %while3A_145 : i32
    %while3A_148 = arith.addi %while3A_141, %while3A_147 : i32
    %while3A_149 = arith.constant 1 : i32
    %while3A_150 = scf.for %while3A_237 = %while3A_141 to %while3A_148 step %while3A_149 iter_args(%while3A_238 = %while3A_142) -> (i32)  : i32 {
      %mul3A_239 = arith.constant 128 : i32
      %mul3A_240 = arith.muli %while3A_237, %mul3A_239 : i32
      %mul3A_241 = arith.constant 128 : i32
      %mul3A_242 = arith.muli %while3A_237, %mul3A_241 : i32
      %dma_start3A = arith.constant 0 : i32
      %dma_start3A_243 = tpu.memref_slice %arg10[%mul3A_242, %dma_start3A] : memref<3072x16xf32, #tpu.memory_space<vmem>> -> memref<128x16xf32, #tpu.memory_space<vmem>>
      %dma_start3A_244 = tpu.memref_slice %arg9[%mul3A_240] : memref<3200xi32, #tpu.memory_space<vmem>> -> memref<128xi32, #tpu.memory_space<vmem>>
      %dma_start3A_245 = arith.constant 0 : i32
      %dma_start3A_246 = arith.constant 0 : i32
      %dma_start3A_247 = tpu.memref_slice %arg2[%dma_start3A_245, %dma_start3A_246] : memref<60000x16xf32, #tpu.memory_space<hbm>> -> memref<60000x16xf32, #tpu.memory_space<hbm>>
      tpu.enqueue_indirect_dma source(%dma_start3A_247 : memref<60000x16xf32, #tpu.memory_space<hbm>>) target(%dma_start3A_243 : memref<128x16xf32, #tpu.memory_space<vmem>>) offsets(%dma_start3A_244 : memref<128xi32, #tpu.memory_space<vmem>>) semaphore(%arg14 : memref<!tpu.dma_semaphore, #tpu.memory_space<semaphore_mem>>)
      %while3A_248 = arith.constant 0 : i32
      scf.yield %while3A_248 : i32
    }
    %while3A_151 = arith.constant 1 : i32
    %while3A_152 = scf.for %while3A_237 = %while3A_148 to %while3A_144 step %while3A_151 iter_args(%while3A_238 = %while3A_150) -> (i32)  : i32 {
      %mul3A_239 = arith.constant 128 : i32
      %mul3A_240 = arith.muli %while3A_237, %mul3A_239 : i32
      %mul3A_241 = arith.constant 128 : i32
      %mul3A_242 = arith.muli %while3A_237, %mul3A_241 : i32
      %dma_start3A = arith.constant 0 : i32
      %dma_start3A_243 = tpu.memref_slice %arg10[%mul3A_242, %dma_start3A] : memref<3072x16xf32, #tpu.memory_space<vmem>> -> memref<128x16xf32, #tpu.memory_space<vmem>>
      %dma_start3A_244 = tpu.memref_slice %arg9[%mul3A_240] : memref<3200xi32, #tpu.memory_space<vmem>> -> memref<128xi32, #tpu.memory_space<vmem>>
      %dma_start3A_245 = arith.constant 0 : i32
      %dma_start3A_246 = arith.constant 0 : i32
      %dma_start3A_247 = tpu.memref_slice %arg2[%dma_start3A_245, %dma_start3A_246] : memref<60000x16xf32, #tpu.memory_space<hbm>> -> memref<60000x16xf32, #tpu.memory_space<hbm>>
      tpu.enqueue_indirect_dma source(%dma_start3A_247 : memref<60000x16xf32, #tpu.memory_space<hbm>>) target(%dma_start3A_243 : memref<128x16xf32, #tpu.memory_space<vmem>>) offsets(%dma_start3A_244 : memref<128xi32, #tpu.memory_space<vmem>>) semaphore(%arg14 : memref<!tpu.dma_semaphore, #tpu.memory_space<semaphore_mem>>)
      %while3A_248 = arith.constant 0 : i32
      scf.yield %while3A_248 : i32
    }
    %while3A_153 = arith.constant 0 : i32
    %while3A_154 = arith.constant 0 : i32
    %while3A_155 = arith.subi %select_n3A_140, %while3A_153 : i32
    %while3A_156 = arith.addi %while3A_153, %while3A_155 : i32
    %while3A_157 = arith.constant 1 : i32
    %while3A_158 = arith.divsi %while3A_155, %while3A_157 : i32
    %while3A_159 = arith.muli %while3A_158, %while3A_157 : i32
    %while3A_160 = arith.addi %while3A_153, %while3A_159 : i32
    %while3A_161 = arith.constant 1 : i32
    %while3A_162 = scf.for %while3A_237 = %while3A_153 to %while3A_160 step %while3A_161 iter_args(%while3A_238 = %while3A_154) -> (i32)  : i32 {
      %dma_wait3A = arith.constant 0 : i32
      %dma_wait3A_239 = arith.constant 0 : i32
      %dma_wait3A_240 = tpu.memref_slice %arg10[%dma_wait3A, %dma_wait3A_239] : memref<3072x16xf32, #tpu.memory_space<vmem>> -> memref<128x16xf32, #tpu.memory_space<vmem>>
      %dma_wait3A_241 = arith.constant 0 : i32
      %dma_wait3A_242 = tpu.memref_slice %arg9[%dma_wait3A_241] : memref<3200xi32, #tpu.memory_space<vmem>> -> memref<128xi32, #tpu.memory_space<vmem>>
      %dma_wait3A_243 = arith.constant 0 : i32
      %dma_wait3A_244 = arith.constant 0 : i32
      %dma_wait3A_245 = tpu.memref_slice %arg2[%dma_wait3A_243, %dma_wait3A_244] : memref<60000x16xf32, #tpu.memory_space<hbm>> -> memref<60000x16xf32, #tpu.memory_space<hbm>>
      tpu.wait_indirect_dma semaphore(%arg14 : memref<!tpu.dma_semaphore, #tpu.memory_space<semaphore_mem>>) src(%dma_wait3A_245 : memref<60000x16xf32, #tpu.memory_space<hbm>>) dst(%dma_wait3A_240 : memref<128x16xf32, #tpu.memory_space<vmem>>)
      %while3A_246 = arith.constant 0 : i32
      scf.yield %while3A_246 : i32
    }
    %while3A_163 = arith.constant 1 : i32
    %while3A_164 = scf.for %while3A_237 = %while3A_160 to %while3A_156 step %while3A_163 iter_args(%while3A_238 = %while3A_162) -> (i32)  : i32 {
      %dma_wait3A = arith.constant 0 : i32
      %dma_wait3A_239 = arith.constant 0 : i32
      %dma_wait3A_240 = tpu.memref_slice %arg10[%dma_wait3A, %dma_wait3A_239] : memref<3072x16xf32, #tpu.memory_space<vmem>> -> memref<128x16xf32, #tpu.memory_space<vmem>>
      %dma_wait3A_241 = arith.constant 0 : i32
      %dma_wait3A_242 = tpu.memref_slice %arg9[%dma_wait3A_241] : memref<3200xi32, #tpu.memory_space<vmem>> -> memref<128xi32, #tpu.memory_space<vmem>>
      %dma_wait3A_243 = arith.constant 0 : i32
      %dma_wait3A_244 = arith.constant 0 : i32
      %dma_wait3A_245 = tpu.memref_slice %arg2[%dma_wait3A_243, %dma_wait3A_244] : memref<60000x16xf32, #tpu.memory_space<hbm>> -> memref<60000x16xf32, #tpu.memory_space<hbm>>
      tpu.wait_indirect_dma semaphore(%arg14 : memref<!tpu.dma_semaphore, #tpu.memory_space<semaphore_mem>>) src(%dma_wait3A_245 : memref<60000x16xf32, #tpu.memory_space<hbm>>) dst(%dma_wait3A_240 : memref<128x16xf32, #tpu.memory_space<vmem>>)
      %while3A_246 = arith.constant 0 : i32
      scf.yield %while3A_246 : i32
    }
    %jit3A_165 = arith.constant 8 : i32
    %div3A_166 = vector.broadcast %jit3A_165 : i32 to vector<16xi32>
    %div3A_167 = arith.divsi %iota3A, %div3A_166 : vector<16xi32>
    %sign3A_168 = arith.constant 0 : i32
    %sign3A_169 = vector.broadcast %sign3A_168 : i32 to vector<16xi32>
    %sign3A_170 = arith.cmpi sgt, %iota3A, %sign3A_169 : vector<16xi32>
    %sign3A_171 = arith.extui %sign3A_170 : vector<16xi1> to vector<16xi32>
    %sign3A_172 = arith.constant 0 : i32
    %sign3A_173 = vector.broadcast %sign3A_172 : i32 to vector<16xi32>
    %sign3A_174 = arith.cmpi slt, %iota3A, %sign3A_173 : vector<16xi32>
    %sign3A_175 = arith.extui %sign3A_174 : vector<16xi1> to vector<16xi32>
    %sign3A_176 = arith.subi %sign3A_171, %sign3A_175 : vector<16xi32>
    %sign3A_177 = arith.constant 0 : i32
    %sign3A_178 = arith.cmpi sgt, %jit3A_165, %sign3A_177 : i32
    %sign3A_179 = arith.extui %sign3A_178 : i1 to i32
    %sign3A_180 = arith.constant 0 : i32
    %sign3A_181 = arith.cmpi slt, %jit3A_165, %sign3A_180 : i32
    %sign3A_182 = arith.extui %sign3A_181 : i1 to i32
    %sign3A_183 = arith.subi %sign3A_179, %sign3A_182 : i32
    %ne3A_184 = vector.broadcast %sign3A_183 : i32 to vector<16xi32>
    %ne3A_185 = arith.cmpi ne, %sign3A_176, %ne3A_184 : vector<16xi32>
    %rem3A_186 = vector.broadcast %jit3A_165 : i32 to vector<16xi32>
    %rem3A_187 = arith.remsi %iota3A, %rem3A_186 : vector<16xi32>
    %ne3A_188 = arith.constant 0 : i32
    %ne3A_189 = vector.broadcast %ne3A_188 : i32 to vector<16xi32>
    %ne3A_190 = arith.cmpi ne, %rem3A_187, %ne3A_189 : vector<16xi32>
    %and3A_191 = arith.andi %ne3A_185, %ne3A_190 : vector<16xi1>
    %sub3A_192 = arith.constant 1 : i32
    %sub3A_193 = vector.broadcast %sub3A_192 : i32 to vector<16xi32>
    %sub3A_194 = arith.subi %div3A_167, %sub3A_193 : vector<16xi32>
    %select_n3A_195 = arith.select %and3A_191, %sub3A_194, %div3A_167 : vector<16xi1>, vector<16xi32>
    %mul3A_196 = arith.constant 2048 : i32
    %mul3A_197 = vector.broadcast %mul3A_196 : i32 to vector<16xi32>
    %mul3A_198 = arith.muli %select_n3A_195, %mul3A_197 : vector<16xi32>
    %jit3A_199 = arith.constant 8 : i32
    %eq3A = arith.constant 0 : i32
    %eq3A_200 = arith.cmpi eq, %jit3A_199, %eq3A : i32
    %jit3A_201 = arith.constant 1 : i32
    %select_n3A_202 = arith.select %eq3A_200, %jit3A_201, %jit3A_199 : i32
    %rem3A_203 = vector.broadcast %select_n3A_202 : i32 to vector<16xi32>
    %rem3A_204 = arith.remsi %iota3A, %rem3A_203 : vector<16xi32>
    %ne3A_205 = arith.constant 0 : i32
    %ne3A_206 = vector.broadcast %ne3A_205 : i32 to vector<16xi32>
    %ne3A_207 = arith.cmpi ne, %rem3A_204, %ne3A_206 : vector<16xi32>
    %lt3A = arith.constant 0 : i32
    %lt3A_208 = vector.broadcast %lt3A : i32 to vector<16xi32>
    %lt3A_209 = arith.cmpi slt, %rem3A_204, %lt3A_208 : vector<16xi32>
    %lt3A_210 = arith.constant 0 : i32
    %lt3A_211 = arith.cmpi slt, %select_n3A_202, %lt3A_210 : i32
    %ne3A_212 = vector.broadcast %lt3A_211 : i1 to vector<16xi1>
    %ne3A_213 = vector.broadcast %ne3A_212 : vector<16xi1> to vector<16xi1>
    %ne3A_214 = arith.xori %lt3A_209, %ne3A_213 : vector<16xi1>
    %and3A_215 = arith.andi %ne3A_214, %ne3A_207 : vector<16xi1>
    %add3A_216 = vector.broadcast %select_n3A_202 : i32 to vector<16xi32>
    %add3A_217 = arith.addi %rem3A_204, %add3A_216 : vector<16xi32>
    %select_n3A_218 = arith.select %and3A_215, %add3A_217, %rem3A_204 : vector<16xi1>, vector<16xi32>
    %mul3A_219 = arith.constant 128 : i32
    %mul3A_220 = vector.broadcast %mul3A_219 : i32 to vector<16xi32>
    %mul3A_221 = arith.muli %select_n3A_218, %mul3A_220 : vector<16xi32>
    %add3A_222 = arith.addi %mul3A_198, %mul3A_221 : vector<16xi32>
    %scan3A_223 = arith.constant 0 : i32
    %scan3A_224 = arith.constant 0 : i32
    %scan3A_225 = arith.constant 256 : i32
    %scan3A_226 = arith.addi %scan3A_224, %scan3A_225 : i32
    %scan3A_227 = arith.constant 1 : i32
    %scan3A_228 = scf.for %scan3A_237 = %scan3A_224 to %scan3A_226 step %scan3A_227 iter_args(%scan3A_238 = %scan3A_223) -> (i32)  : i32 {
      %jit3A_239 = arith.constant 4 : i32
      %eq3A_240 = arith.constant 0 : i32
      %eq3A_241 = arith.cmpi eq, %jit3A_239, %eq3A_240 : i32
      %jit3A_242 = arith.constant 1 : i32
      %select_n3A_243 = arith.select %eq3A_241, %jit3A_242, %jit3A_239 : i32
      %rem3A_244 = arith.remsi %scan3A_237, %select_n3A_243 : i32
      %ne3A_245 = arith.constant 0 : i32
      %ne3A_246 = arith.cmpi ne, %rem3A_244, %ne3A_245 : i32
      %lt3A_247 = arith.constant 0 : i32
      %lt3A_248 = arith.cmpi slt, %rem3A_244, %lt3A_247 : i32
      %lt3A_249 = arith.constant 0 : i32
      %lt3A_250 = arith.cmpi slt, %select_n3A_243, %lt3A_249 : i32
      %ne3A_251 = arith.xori %lt3A_248, %lt3A_250 : i1
      %and3A_252 = arith.andi %ne3A_251, %ne3A_246 : i1
      %add3A_253 = arith.addi %rem3A_244, %select_n3A_243 : i32
      %select_n3A_254 = arith.select %and3A_252, %add3A_253, %rem3A_244 : i32
      %mul3A_255 = arith.constant 4096 : i32
      %mul3A_256 = arith.muli %select_n3A_254, %mul3A_255 : i32
      %get3A = arith.index_cast %scan3A_237 : i32 to index
      %get3A_257 = tpu.vector_load %arg12[%get3A] {strides = array<i32>} : memref<288xi32, #tpu.memory_space<vmem>>, vector<16xi32>,
      %slice3A = vector.extract_strided_slice %get3A_257 {offsets = [0], sizes = [1], strides = [1]} : vector<16xi32> to vector<1xi32>
      %squeeze3A = vector.extract %slice3A[0] : i32 from vector<1xi32>
      %slice3A_258 = vector.extract_strided_slice %get3A_257 {offsets = [1], sizes = [1], strides = [1]} : vector<16xi32> to vector<1xi32>
      %squeeze3A_259 = vector.extract %slice3A_258[0] : i32 from vector<1xi32>
      %ge3A = arith.constant 4 : i32
      %ge3A_260 = arith.cmpi sge, %scan3A_237, %ge3A : i32
      %convert_element_type3A = arith.extui %ge3A_260 : i1 to i32
      %cond3A = arith.constant 0 : i32
      %cond3A_261 = arith.cmpi ne, %convert_element_type3A, %cond3A : i32
      scf.if %cond3A_261 {
        %sub3A_277 = arith.constant 4 : i32
        %sub3A_278 = arith.subi %scan3A_237, %sub3A_277 : i32
        %mul3A_279 = arith.constant 4096 : i32
        %mul3A_280 = arith.muli %sub3A_278, %mul3A_279 : i32
        %add3A_281 = arith.addi %mul3A_2, %mul3A_280 : i32
        %dma_wait3A = tpu.memref_slice %arg13[%mul3A_256] : memref<16384xf32, #tpu.memory_space<vmem>> -> memref<4096xf32, #tpu.memory_space<vmem>>
        %dma_wait3A_282 = tpu.memref_slice %arg4[%add3A_281] : memref<33554432xf32, #tpu.memory_space<hbm>> -> memref<4096xf32, #tpu.memory_space<hbm>>
        %dma_wait3A_283 = tpu.memref_slice %arg4[%add3A_281] : memref<33554432xf32, #tpu.memory_space<hbm>> -> memref<4096xf32, #tpu.memory_space<hbm>>
        %dma_wait3A_284 = tpu.memref_slice %arg13[%mul3A_256] : memref<16384xf32, #tpu.memory_space<vmem>> -> memref<4096xf32, #tpu.memory_space<vmem>>
        tpu.wait_dma2 semaphore(%arg15 : memref<!tpu.dma_semaphore, #tpu.memory_space<semaphore_mem>>) src(%dma_wait3A_284 : memref<4096xf32, #tpu.memory_space<vmem>>) dst(%dma_wait3A_283 : memref<4096xf32, #tpu.memory_space<hbm>>)
        %sub3A_285 = arith.constant 4 : i32
        %sub3A_286 = arith.subi %scan3A_237, %sub3A_285 : i32
        %get3A_287 = arith.index_cast %sub3A_286 : i32 to index
        %get3A_288 = tpu.vector_load %arg12[%get3A_287] {strides = array<i32>} : memref<288xi32, #tpu.memory_space<vmem>>, vector<16xi32>,
        %slice3A_289 = vector.extract_strided_slice %get3A_288 {offsets = [0], sizes = [1], strides = [1]} : vector<16xi32> to vector<1xi32>
        %squeeze3A_290 = vector.extract %slice3A_289[0] : i32 from vector<1xi32>
        %slice3A_291 = vector.extract_strided_slice %get3A_288 {offsets = [1], sizes = [1], strides = [1]} : vector<16xi32> to vector<1xi32>
        %squeeze3A_292 = vector.extract %slice3A_291[0] : i32 from vector<1xi32>
        %while3A_293 = arith.subi %squeeze3A_292, %squeeze3A_290 : i32
        %while3A_294 = arith.addi %squeeze3A_290, %while3A_293 : i32
        %while3A_295 = arith.constant 1 : i32
        %while3A_296 = arith.divsi %while3A_293, %while3A_295 : i32
        %while3A_297 = arith.muli %while3A_296, %while3A_295 : i32
        %while3A_298 = arith.addi %squeeze3A_290, %while3A_297 : i32
        %while3A_299 = arith.constant 1 : i32
        scf.for %while3A_301 = %squeeze3A_290 to %while3A_298 step %while3A_299  : i32 {
          %get3A_302 = arith.index_cast %while3A_301 : i32 to index
          %get3A_303 = tpu.vector_load %arg8[%get3A_302] {strides = array<i32>} : memref<3200xi32, #tpu.memory_space<vmem>>, vector<16xi32>,
          %slice3A_304 = vector.extract_strided_slice %get3A_303 {offsets = [0], sizes = [1], strides = [1]} : vector<16xi32> to vector<1xi32>
          %squeeze3A_305 = vector.extract %slice3A_304[0] : i32 from vector<1xi32>
          %and3A_306 = arith.constant 255 : i32
          %and3A_307 = arith.andi %squeeze3A_305, %and3A_306 : i32
          %shift_right_arithmetic3A = arith.constant 7 : i32
          %shift_right_arithmetic3A_308 = arith.shrsi %and3A_307, %shift_right_arithmetic3A : i32
          %mul3A_309 = arith.constant 1024 : i32
          %mul3A_310 = arith.muli %shift_right_arithmetic3A_308, %mul3A_309 : i32
          %add3A_311 = arith.addi %mul3A_256, %mul3A_310 : i32
          %and3A_312 = arith.constant 127 : i32
          %and3A_313 = arith.andi %and3A_307, %and3A_312 : i32
          %add3A_314 = arith.addi %add3A_311, %and3A_313 : i32
          %add3A_315 = vector.broadcast %add3A_314 : i32 to vector<16xi32>
          %add3A_316 = arith.addi %add3A_315, %add3A_222 : vector<16xi32>
          tpu.vector_store_idx %arg13[%add3A_316], %broadcast_in_dim3A_3 : memref<16384xf32, #tpu.memory_space<vmem>>[vector<16xi32>], vector<16xf32>,
        }
        %while3A_300 = arith.constant 1 : i32
        scf.for %while3A_301 = %while3A_298 to %while3A_294 step %while3A_300  : i32 {
          %get3A_302 = arith.index_cast %while3A_301 : i32 to index
          %get3A_303 = tpu.vector_load %arg8[%get3A_302] {strides = array<i32>} : memref<3200xi32, #tpu.memory_space<vmem>>, vector<16xi32>,
          %slice3A_304 = vector.extract_strided_slice %get3A_303 {offsets = [0], sizes = [1], strides = [1]} : vector<16xi32> to vector<1xi32>
          %squeeze3A_305 = vector.extract %slice3A_304[0] : i32 from vector<1xi32>
          %and3A_306 = arith.constant 255 : i32
          %and3A_307 = arith.andi %squeeze3A_305, %and3A_306 : i32
          %shift_right_arithmetic3A = arith.constant 7 : i32
          %shift_right_arithmetic3A_308 = arith.shrsi %and3A_307, %shift_right_arithmetic3A : i32
          %mul3A_309 = arith.constant 1024 : i32
          %mul3A_310 = arith.muli %shift_right_arithmetic3A_308, %mul3A_309 : i32
          %add3A_311 = arith.addi %mul3A_256, %mul3A_310 : i32
          %and3A_312 = arith.constant 127 : i32
          %and3A_313 = arith.andi %and3A_307, %and3A_312 : i32
          %add3A_314 = arith.addi %add3A_311, %and3A_313 : i32
          %add3A_315 = vector.broadcast %add3A_314 : i32 to vector<16xi32>
          %add3A_316 = arith.addi %add3A_315, %add3A_222 : vector<16xi32>
          tpu.vector_store_idx %arg13[%add3A_316], %broadcast_in_dim3A_3 : memref<16384xf32, #tpu.memory_space<vmem>>[vector<16xi32>], vector<16xf32>,
        }
      } else {
      }
      %while3A_262 = arith.subi %squeeze3A_259, %squeeze3A : i32
      %while3A_263 = arith.addi %squeeze3A, %while3A_262 : i32
      %while3A_264 = arith.constant 1 : i32
      %while3A_265 = arith.divsi %while3A_262, %while3A_264 : i32
      %while3A_266 = arith.muli %while3A_265, %while3A_264 : i32
      %while3A_267 = arith.addi %squeeze3A, %while3A_266 : i32
      %while3A_268 = arith.constant 1 : i32
      scf.for %while3A_277 = %squeeze3A to %while3A_267 step %while3A_268  : i32 {
        %get3A_278 = arith.index_cast %while3A_277 : i32 to index
        %get3A_279 = tpu.vector_load %arg8[%get3A_278] {strides = array<i32>} : memref<3200xi32, #tpu.memory_space<vmem>>, vector<16xi32>,
        %slice3A_280 = vector.extract_strided_slice %get3A_279 {offsets = [0], sizes = [1], strides = [1]} : vector<16xi32> to vector<1xi32>
        %squeeze3A_281 = vector.extract %slice3A_280[0] : i32 from vector<1xi32>
        %and3A_282 = arith.constant 255 : i32
        %and3A_283 = arith.andi %squeeze3A_281, %and3A_282 : i32
        %shift_right_arithmetic3A = arith.constant 7 : i32
        %shift_right_arithmetic3A_284 = arith.shrsi %and3A_283, %shift_right_arithmetic3A : i32
        %mul3A_285 = arith.constant 1024 : i32
        %mul3A_286 = arith.muli %shift_right_arithmetic3A_284, %mul3A_285 : i32
        %add3A_287 = arith.addi %mul3A_256, %mul3A_286 : i32
        %and3A_288 = arith.constant 127 : i32
        %and3A_289 = arith.andi %and3A_283, %and3A_288 : i32
        %add3A_290 = arith.addi %add3A_287, %and3A_289 : i32
        %add3A_291 = vector.broadcast %add3A_290 : i32 to vector<16xi32>
        %add3A_292 = arith.addi %add3A_291, %add3A_222 : vector<16xi32>
        %get3A_293 = arith.index_cast %while3A_277 : i32 to index
        %get3A_294 = arith.constant 0 : index
        %get3A_295 = tpu.vector_load %arg10[%get3A_293, %get3A_294] {strides = array<i32>} : memref<3072x16xf32, #tpu.memory_space<vmem>>, vector<16xf32>,
        tpu.vector_store_idx %arg13[%add3A_292], %get3A_295 : memref<16384xf32, #tpu.memory_space<vmem>>[vector<16xi32>], vector<16xf32>,
      }
      %while3A_269 = arith.constant 1 : i32
      scf.for %while3A_277 = %while3A_267 to %while3A_263 step %while3A_269  : i32 {
        %get3A_278 = arith.index_cast %while3A_277 : i32 to index
        %get3A_279 = tpu.vector_load %arg8[%get3A_278] {strides = array<i32>} : memref<3200xi32, #tpu.memory_space<vmem>>, vector<16xi32>,
        %slice3A_280 = vector.extract_strided_slice %get3A_279 {offsets = [0], sizes = [1], strides = [1]} : vector<16xi32> to vector<1xi32>
        %squeeze3A_281 = vector.extract %slice3A_280[0] : i32 from vector<1xi32>
        %and3A_282 = arith.constant 255 : i32
        %and3A_283 = arith.andi %squeeze3A_281, %and3A_282 : i32
        %shift_right_arithmetic3A = arith.constant 7 : i32
        %shift_right_arithmetic3A_284 = arith.shrsi %and3A_283, %shift_right_arithmetic3A : i32
        %mul3A_285 = arith.constant 1024 : i32
        %mul3A_286 = arith.muli %shift_right_arithmetic3A_284, %mul3A_285 : i32
        %add3A_287 = arith.addi %mul3A_256, %mul3A_286 : i32
        %and3A_288 = arith.constant 127 : i32
        %and3A_289 = arith.andi %and3A_283, %and3A_288 : i32
        %add3A_290 = arith.addi %add3A_287, %and3A_289 : i32
        %add3A_291 = vector.broadcast %add3A_290 : i32 to vector<16xi32>
        %add3A_292 = arith.addi %add3A_291, %add3A_222 : vector<16xi32>
        %get3A_293 = arith.index_cast %while3A_277 : i32 to index
        %get3A_294 = arith.constant 0 : index
        %get3A_295 = tpu.vector_load %arg10[%get3A_293, %get3A_294] {strides = array<i32>} : memref<3072x16xf32, #tpu.memory_space<vmem>>, vector<16xf32>,
        tpu.vector_store_idx %arg13[%add3A_292], %get3A_295 : memref<16384xf32, #tpu.memory_space<vmem>>[vector<16xi32>], vector<16xf32>,
      }
      %mul3A_270 = arith.constant 4096 : i32
      %mul3A_271 = arith.muli %scan3A_237, %mul3A_270 : i32
      %add3A_272 = arith.addi %mul3A_2, %mul3A_271 : i32
      %dma_start3A = tpu.memref_slice %arg13[%mul3A_256] : memref<16384xf32, #tpu.memory_space<vmem>> -> memref<4096xf32, #tpu.memory_space<vmem>>
      %dma_start3A_273 = tpu.memref_slice %arg4[%add3A_272] : memref<33554432xf32, #tpu.memory_space<hbm>> -> memref<4096xf32, #tpu.memory_space<hbm>>
      %dma_start3A_274 = tpu.memref_slice %arg4[%add3A_272] : memref<33554432xf32, #tpu.memory_space<hbm>> -> memref<4096xf32, #tpu.memory_space<hbm>>
      %dma_start3A_275 = tpu.memref_slice %arg13[%mul3A_256] : memref<16384xf32, #tpu.memory_space<vmem>> -> memref<4096xf32, #tpu.memory_space<vmem>>
      tpu.enqueue_dma source(%dma_start3A_275 : memref<4096xf32, #tpu.memory_space<vmem>>) target(%dma_start3A_274 : memref<4096xf32, #tpu.memory_space<hbm>>) target_semaphore(%arg15 : memref<!tpu.dma_semaphore, #tpu.memory_space<semaphore_mem>>)
      %scan3A_276 = arith.constant 0 : i32
      scf.yield %scan3A_276 : i32
    }
    %scan3A_229 = arith.constant 256 : i32
    %scan3A_230 = arith.constant 0 : i32
    %scan3A_231 = arith.constant 0 : i32
    %scan3A_232 = arith.constant 4 : i32
    %scan3A_233 = arith.addi %scan3A_231, %scan3A_232 : i32
    %scan3A_234 = arith.constant 1 : i32
    %scan3A_235 = scf.for %scan3A_237 = %scan3A_231 to %scan3A_233 step %scan3A_234 iter_args(%scan3A_238 = %scan3A_230) -> (i32)  : i32 {
      %dma_wait3A = arith.constant 0 : i32
      %dma_wait3A_239 = tpu.memref_slice %arg13[%dma_wait3A] : memref<16384xf32, #tpu.memory_space<vmem>> -> memref<4096xf32, #tpu.memory_space<vmem>>
      %dma_wait3A_240 = tpu.memref_slice %arg4[%mul3A_2] : memref<33554432xf32, #tpu.memory_space<hbm>> -> memref<4096xf32, #tpu.memory_space<hbm>>
      %dma_wait3A_241 = tpu.memref_slice %arg4[%mul3A_2] : memref<33554432xf32, #tpu.memory_space<hbm>> -> memref<4096xf32, #tpu.memory_space<hbm>>
      %dma_wait3A_242 = arith.constant 0 : i32
      %dma_wait3A_243 = tpu.memref_slice %arg13[%dma_wait3A_242] : memref<16384xf32, #tpu.memory_space<vmem>> -> memref<4096xf32, #tpu.memory_space<vmem>>
      tpu.wait_dma2 semaphore(%arg15 : memref<!tpu.dma_semaphore, #tpu.memory_space<semaphore_mem>>) src(%dma_wait3A_243 : memref<4096xf32, #tpu.memory_space<vmem>>) dst(%dma_wait3A_241 : memref<4096xf32, #tpu.memory_space<hbm>>)
      %scan3A_244 = arith.constant 0 : i32
      scf.yield %scan3A_244 : i32
    }
    %scan3A_236 = arith.constant 4 : i32
    return
  }
}

module attributes {stable_mosaic.version = 14 : i64} {
  func.func @_mlp_body(%arg0: i32, %arg1: memref<1200x80xf32, #tpu.memory_space<vmem>>, %arg2: memref<1200x1xi32, #tpu.memory_space<vmem>>, %arg3: memref<1200x4xi32, #tpu.memory_space<vmem>>, %arg4: memref<80x320xf32, #tpu.memory_space<vmem>>, %arg5: memref<320x20xf32, #tpu.memory_space<vmem>>, %arg6: memref<20x320xf32, #tpu.memory_space<vmem>>, %arg7: memref<320x16xf32, #tpu.memory_space<vmem>>, %arg8: memref<16x16xf32, #tpu.memory_space<vmem>>, %arg9: memref<1x320xi32, #tpu.memory_space<vmem>>, %arg10: memref<1200x16xf32, #tpu.memory_space<vmem>>, %arg11: memref<1200x1xi32, #tpu.memory_space<vmem>>) attributes {dimension_semantics = [#tpu.dimension_semantics<arbitrary>], iteration_bounds = array<i64: 50>, scalar_prefetch = 0 : i64, scratch_operands = 0 : i64, tpu.core_type = #tpu.core_type<tc>, window_params = [{transform_indices = @transform_0, window_bounds = array<i64: 1200, 80>}, {transform_indices = @transform_1, window_bounds = array<i64: 1200, 1>}, {transform_indices = @transform_2, window_bounds = array<i64: 1200, 4>}, {pipeline_mode = #tpu.pipeline_mode<synchronous>, transform_indices = @transform_3, window_bounds = array<i64: 80, 320>}, {pipeline_mode = #tpu.pipeline_mode<synchronous>, transform_indices = @transform_4, window_bounds = array<i64: 320, 20>}, {pipeline_mode = #tpu.pipeline_mode<synchronous>, transform_indices = @transform_5, window_bounds = array<i64: 20, 320>}, {pipeline_mode = #tpu.pipeline_mode<synchronous>, transform_indices = @transform_6, window_bounds = array<i64: 320, 16>}, {pipeline_mode = #tpu.pipeline_mode<synchronous>, transform_indices = @transform_7, window_bounds = array<i64: 16, 16>}, {pipeline_mode = #tpu.pipeline_mode<synchronous>, transform_indices = @transform_8, window_bounds = array<i64: 1, 320>}, {transform_indices = @transform_9, window_bounds = array<i64: 1200, 16>}, {transform_indices = @transform_10, window_bounds = array<i64: 1200, 1>}]} {
    %get3A = arith.constant 0 : index
    %get3A_0 = arith.constant 0 : index
    %get3A_1 = vector.load %arg1[%get3A, %get3A_0] : memref<1200x80xf32, #tpu.memory_space<vmem>>, vector<1200x80xf32>
    %get3A_2 = arith.constant 0 : index
    %get3A_3 = arith.constant 0 : index
    %get3A_4 = vector.load %arg4[%get3A_2, %get3A_3] : memref<80x320xf32, #tpu.memory_space<vmem>>, vector<80x320xf32>
    %dot_general3A = arith.constant dense<0.000000e+00> : vector<1200x320xf32>
    %dot_general3A_5 = tpu.matmul %get3A_1, %get3A_4, %dot_general3A {dimension_numbers = #tpu.dot_dimension_numbers<[1], [0], [0], [1], [0, 0, 1, 1], [], []>, transpose_lhs_hint = false} : vector<1200x80xf32>, vector<80x320xf32>, vector<1200x320xf32> -> vector<1200x320xf32>
    %mul3A = arith.mulf %dot_general3A_5, %dot_general3A_5 : vector<1200x320xf32>
    %get3A_6 = arith.constant 0 : index
    %get3A_7 = arith.constant 0 : index
    %get3A_8 = vector.load %arg5[%get3A_6, %get3A_7] : memref<320x20xf32, #tpu.memory_space<vmem>>, vector<320x20xf32>
    %dot_general3A_9 = arith.constant dense<0.000000e+00> : vector<1200x20xf32>
    %dot_general3A_10 = tpu.matmul %mul3A, %get3A_8, %dot_general3A_9 {dimension_numbers = #tpu.dot_dimension_numbers<[1], [0], [0], [1], [0, 0, 1, 1], [], []>, transpose_lhs_hint = false} : vector<1200x320xf32>, vector<320x20xf32>, vector<1200x20xf32> -> vector<1200x20xf32>
    %add3A = arith.constant 9.99999974E-6 : f32
    %add3A_11 = vector.broadcast %add3A : f32 to vector<1200x20xf32>
    %add3A_12 = arith.addf %dot_general3A_10, %add3A_11 : vector<1200x20xf32>
    %rsqrt3A = math.rsqrt %add3A_12 : vector<1200x20xf32>
    %get3A_13 = arith.constant 0 : index
    %get3A_14 = arith.constant 0 : index
    %get3A_15 = vector.load %arg6[%get3A_13, %get3A_14] : memref<20x320xf32, #tpu.memory_space<vmem>>, vector<20x320xf32>
    %dot_general3A_16 = arith.constant dense<0.000000e+00> : vector<1200x320xf32>
    %dot_general3A_17 = tpu.matmul %rsqrt3A, %get3A_15, %dot_general3A_16 {dimension_numbers = #tpu.dot_dimension_numbers<[1], [0], [0], [1], [0, 0, 1, 1], [], []>, transpose_lhs_hint = false} : vector<1200x20xf32>, vector<20x320xf32>, vector<1200x320xf32> -> vector<1200x320xf32>
    %mul3A_18 = arith.mulf %dot_general3A_5, %dot_general3A_17 : vector<1200x320xf32>
    %max3A = arith.constant 0.000000e+00 : f32
    %max3A_19 = vector.broadcast %max3A : f32 to vector<1200x320xf32>
    %max3A_20 = arith.maximumf %mul3A_18, %max3A_19 : vector<1200x320xf32>
    %get3A_21 = arith.constant 0 : index
    %get3A_22 = arith.constant 0 : index
    %get3A_23 = vector.load %arg2[%get3A_21, %get3A_22] : memref<1200x1xi32, #tpu.memory_space<vmem>>, vector<1200x1xi32>
    %get3A_24 = arith.constant 0 : index
    %get3A_25 = arith.constant 0 : index
    %get3A_26 = vector.load %arg9[%get3A_24, %get3A_25] : memref<1x320xi32, #tpu.memory_space<vmem>>, vector<1x320xi32>
    %lt3A = vector.broadcast %get3A_26 : vector<1x320xi32> to vector<1200x320xi32>
    %lt3A_27 = vector.broadcast %get3A_23 : vector<1200x1xi32> to vector<1200x320xi32>
    %lt3A_28 = arith.cmpi slt, %lt3A, %lt3A_27 : vector<1200x320xi32>
    %jit3A = arith.constant 0.000000e+00 : f32
    %broadcast_in_dim3A = vector.broadcast %jit3A : f32 to vector<1200x320xf32>
    %select_n3A = arith.select %lt3A_28, %max3A_20, %broadcast_in_dim3A : vector<1200x320xi1>, vector<1200x320xf32>
    %get3A_29 = arith.constant 0 : index
    %get3A_30 = arith.constant 0 : index
    %get3A_31 = vector.load %arg7[%get3A_29, %get3A_30] : memref<320x16xf32, #tpu.memory_space<vmem>>, vector<320x16xf32>
    %dot_general3A_32 = arith.constant dense<0.000000e+00> : vector<1200x16xf32>
    %dot_general3A_33 = tpu.matmul %select_n3A, %get3A_31, %dot_general3A_32 {dimension_numbers = #tpu.dot_dimension_numbers<[1], [0], [0], [1], [0, 0, 1, 1], [], []>, transpose_lhs_hint = false} : vector<1200x320xf32>, vector<320x16xf32>, vector<1200x16xf32> -> vector<1200x16xf32>
    %get3A_34 = arith.constant 0 : index
    %get3A_35 = arith.constant 0 : index
    %get3A_36 = vector.load %arg8[%get3A_34, %get3A_35] : memref<16x16xf32, #tpu.memory_space<vmem>>, vector<16x16xf32>
    %dot_general3A_37 = arith.constant dense<0.000000e+00> : vector<1200x16xf32>
    %dot_general3A_38 = tpu.matmul %dot_general3A_33, %get3A_36, %dot_general3A_37 {dimension_numbers = #tpu.dot_dimension_numbers<[1], [0], [0], [1], [0, 0, 1, 1], [], []>, transpose_lhs_hint = false} : vector<1200x16xf32>, vector<16x16xf32>, vector<1200x16xf32> -> vector<1200x16xf32>
    %mul3A_39 = arith.mulf %dot_general3A_38, %dot_general3A_38 : vector<1200x16xf32>
    %reduce_sum3A = arith.constant dense<0.000000e+00> : vector<1200xf32>
    %reduce_sum3A_40 = vector.multi_reduction <add>, %mul3A_39, %reduce_sum3A [1] : vector<1200x16xf32> to vector<1200xf32>
    %broadcast_in_dim3A_41 = vector.shape_cast %reduce_sum3A_40 : vector<1200xf32> to vector<1200x1xf32>
    %div3A = arith.constant 1.600000e+01 : f32
    %div3A_42 = vector.broadcast %div3A : f32 to vector<1200x1xf32>
    %div3A_43 = arith.divf %broadcast_in_dim3A_41, %div3A_42 : vector<1200x1xf32>
    %add3A_44 = arith.constant 9.99999974E-6 : f32
    %add3A_45 = vector.broadcast %add3A_44 : f32 to vector<1200x1xf32>
    %add3A_46 = arith.addf %div3A_43, %add3A_45 : vector<1200x1xf32>
    %rsqrt3A_47 = math.rsqrt %add3A_46 : vector<1200x1xf32>
    %mul3A_48 = vector.broadcast %rsqrt3A_47 : vector<1200x1xf32> to vector<1200x16xf32>
    %mul3A_49 = arith.mulf %dot_general3A_38, %mul3A_48 : vector<1200x16xf32>
    %swap3A = arith.constant 0 : index
    %swap3A_50 = arith.constant 0 : index
    %swap3A_51 = vector.load %arg10[%swap3A, %swap3A_50] : memref<1200x16xf32, #tpu.memory_space<vmem>>, vector<1200x16xf32>
    tpu.vector_store %arg10[%swap3A, %swap3A_50], %mul3A_49 {strides = array<i32>} : memref<1200x16xf32, #tpu.memory_space<vmem>>, vector<1200x16xf32>,
    %get3A_52 = arith.constant 0 : index
    %get3A_53 = arith.constant 0 : index
    %get3A_54 = vector.load %arg3[%get3A_52, %get3A_53] : memref<1200x4xi32, #tpu.memory_space<vmem>>, vector<1200x4xi32>
    %slice3A = vector.extract_strided_slice %get3A_54 {offsets = [0, 0], sizes = [1200, 1], strides = [1, 1]} : vector<1200x4xi32> to vector<1200x1xi32>
    %mul3A_55 = arith.constant 256 : i32
    %mul3A_56 = vector.broadcast %mul3A_55 : i32 to vector<1200x1xi32>
    %mul3A_57 = arith.muli %slice3A, %mul3A_56 : vector<1200x1xi32>
    %slice3A_58 = vector.extract_strided_slice %get3A_54 {offsets = [0, 1], sizes = [1200, 1], strides = [1, 1]} : vector<1200x4xi32> to vector<1200x1xi32>
    %add3A_59 = arith.addi %mul3A_57, %slice3A_58 : vector<1200x1xi32>
    %mul3A_60 = arith.constant 16 : i32
    %mul3A_61 = vector.broadcast %mul3A_60 : i32 to vector<1200x1xi32>
    %mul3A_62 = arith.muli %add3A_59, %mul3A_61 : vector<1200x1xi32>
    %slice3A_63 = vector.extract_strided_slice %get3A_54 {offsets = [0, 3], sizes = [1200, 1], strides = [1, 1]} : vector<1200x4xi32> to vector<1200x1xi32>
    %add3A_64 = arith.addi %mul3A_62, %slice3A_63 : vector<1200x1xi32>
    %mul3A_65 = arith.constant 256 : i32
    %mul3A_66 = vector.broadcast %mul3A_65 : i32 to vector<1200x1xi32>
    %mul3A_67 = arith.muli %add3A_64, %mul3A_66 : vector<1200x1xi32>
    %slice3A_68 = vector.extract_strided_slice %get3A_54 {offsets = [0, 2], sizes = [1200, 1], strides = [1, 1]} : vector<1200x4xi32> to vector<1200x1xi32>
    %add3A_69 = arith.addi %mul3A_67, %slice3A_68 : vector<1200x1xi32>
    %swap3A_70 = arith.constant 0 : index
    %swap3A_71 = arith.constant 0 : index
    %swap3A_72 = vector.load %arg11[%swap3A_70, %swap3A_71] : memref<1200x1xi32, #tpu.memory_space<vmem>>, vector<1200x1xi32>
    tpu.vector_store %arg11[%swap3A_70, %swap3A_71], %add3A_69 {strides = array<i32>} : memref<1200x1xi32, #tpu.memory_space<vmem>>, vector<1200x1xi32>,
    return
  }
  func.func @transform_0(%arg0: i32) -> (i32, i32) {
    %c0_i32 = arith.constant 0 : i32
    %c0_i32_0 = arith.constant 0 : i32
    return %arg0, %c0_i32 : i32, i32
  }
  func.func @transform_1(%arg0: i32) -> (i32, i32) {
    %c0_i32 = arith.constant 0 : i32
    %c0_i32_0 = arith.constant 0 : i32
    return %arg0, %c0_i32 : i32, i32
  }
  func.func @transform_2(%arg0: i32) -> (i32, i32) {
    %c0_i32 = arith.constant 0 : i32
    %c0_i32_0 = arith.constant 0 : i32
    return %arg0, %c0_i32 : i32, i32
  }
  func.func @transform_3(%arg0: i32) -> (i32, i32) {
    %c0_i32 = arith.constant 0 : i32
    %c0_i32_0 = arith.constant 0 : i32
    %c0_i32_1 = arith.constant 0 : i32
    return %c0_i32, %c0_i32_0 : i32, i32
  }
  func.func @transform_4(%arg0: i32) -> (i32, i32) {
    %c0_i32 = arith.constant 0 : i32
    %c0_i32_0 = arith.constant 0 : i32
    %c0_i32_1 = arith.constant 0 : i32
    return %c0_i32, %c0_i32_0 : i32, i32
  }
  func.func @transform_5(%arg0: i32) -> (i32, i32) {
    %c0_i32 = arith.constant 0 : i32
    %c0_i32_0 = arith.constant 0 : i32
    %c0_i32_1 = arith.constant 0 : i32
    return %c0_i32, %c0_i32_0 : i32, i32
  }
  func.func @transform_6(%arg0: i32) -> (i32, i32) {
    %c0_i32 = arith.constant 0 : i32
    %c0_i32_0 = arith.constant 0 : i32
    %c0_i32_1 = arith.constant 0 : i32
    return %c0_i32, %c0_i32_0 : i32, i32
  }
  func.func @transform_7(%arg0: i32) -> (i32, i32) {
    %c0_i32 = arith.constant 0 : i32
    %c0_i32_0 = arith.constant 0 : i32
    %c0_i32_1 = arith.constant 0 : i32
    return %c0_i32, %c0_i32_0 : i32, i32
  }
  func.func @transform_8(%arg0: i32) -> (i32, i32) {
    %c0_i32 = arith.constant 0 : i32
    %c0_i32_0 = arith.constant 0 : i32
    %c0_i32_1 = arith.constant 0 : i32
    return %c0_i32, %c0_i32_0 : i32, i32
  }
  func.func @transform_9(%arg0: i32) -> (i32, i32) {
    %c0_i32 = arith.constant 0 : i32
    %c0_i32_0 = arith.constant 0 : i32
    return %arg0, %c0_i32 : i32, i32
  }
  func.func @transform_10(%arg0: i32) -> (i32, i32) {
    %c0_i32 = arith.constant 0 : i32
    %c0_i32_0 = arith.constant 0 : i32
    return %arg0, %c0_i32 : i32, i32
  }
}

</mosaic_0001>

<sc_bundles>
// kernel: kernel.4.cloned.1.call-start
scs
__scs_entry_jumppad:
0x0: {  	(pc) =	sbr.rel $0x88, $3  }
0x1: {  	(tag) =	ssettag $0x0;
	lr =	simm.s32 $0x1  }
0x2: {  	[smem:$0x3F9B] =	sst lr;
	_ =	strace $0xD0000000  }
0x3: {  	_ = 	snop  }
0x4: {  	_ = 	snop  }
0x5: {  	_ = 	snop  }
0x6: {  	_ = 	snop  }
0x7: {  	_ = 	snop  }
__scs_overlays_trampoline_lowered:
0x8: {  	[smem:$0x3FAA] =	sst s0  }
0x9: {  	[smem:$0x3FAB] =	sst s1  }
0xa: {  	[smem:$0x3FAC] =	sst s2  }
0xb: {  	[smem:$0x3FAD] =	sst s3  }
0xc: {  	[smem:$0x3FAE] =	sst s4  }
0xd: {  	[smem:$0x3FAF] =	sst s5  }
0xe: {  	[smem:$0x3FB0] =	sst s6  }
0xf: {  	[smem:$0x3FB1] =	sst s7  }
0x10: {  	[smem:$0x3FB2] =	sst s8  }
0x11: {  	[smem:$0x3FB3] =	sst s9;
	s0 =	simm.s32 @!p0 $0x0  }
0x12: {  	s1 =	sld [smem:$0x3F99];
	s0 =	simm.s32 @p0 $0x1  }
0x13: {  	[smem:$0x3FB4] =	sst s0;
	s0 =	simm.s32 @!p1 $0x0  }
0x14: {  	s2 =	sld [smem:$0x3F98];
	s0 =	simm.s32 @p1 $0x1  }
0x15: {  	[smem:$0x3FB5] =	sst s0;
	s0 =	simm.s32 @!p2 $0x0  }
0x16: {  	s3 =	sld [smem:$0x3FDB];
	s0 =	simm.s32 @p2 $0x1  }
0x17: {  	s4 =	simm.s32 $0x1BF5;
	[smem:$0x3FB7] =	sst s0  }
0x18: {  	s0 =	sld [smem:$0x3F9A];
	_ =	swait.ge [sflag:s4], $0x0  }
0x19: {  	s7 =	sld [smem:$0x3F9B]  }
0x1a: {  	s8 =	sadd.s32 $0xFFFFE003, lr  }
0x1b: {  	s9 =	sadd.s32 $0xFFFFFEF7, lr;
	s5 =	simm.s32 $0xFFFFFFFF;
	p2 =	slt.u32 s8, $0xFFFFF086  }
0x1c: {  	p1 =	slt.u32 s9, $0xF7A;
	s5 =	simm.s32 @!p2 $0x0  }
0x1d: {  	s5 =	simm.s32 @p1 $0x1;
	p0 =	seq.s32 s7, s2  }
0x1e: {  	s7 =	smul.u32 @!p0 $0xF7A, s2;
	p2 =	seq.s32 @!p0 s5, $0x0  }
0x1f: {  	s9 =	smul.u32 $0xF7A, s1;
	s8 =	simm.s32 @!p0 $0x1BF5;
	p2 =	por !p2, p0  }
0x20: {  	[sflag:s8] =	ssyncset.s32 @!p0 $0xFFFFF086;
	s6 =	sadd.s32 @!p0 s3, s7;
	s7 =	simm.s32 @!p0 $0x108  }
0x21: {  	s3 =	sadd.s32 s3, s9;
	s6 =	sadd.s32 @!p0 $0x88, s6;
	s7 =	simm.s32 @p2 $0x1082  }
0x22: {  	[simem:s7], [sflag:s8] =	dma.local @!p0 [hbm:s6], $0xF7A  }
0x23: {  	s9 =	sor.u32 $0xD0000000, s2;
	s6 =	simm.s32 $0x108;
	_ =	swait.ge @!p0 [sflag:s8], $0x0  }
0x24: {  	s3 =	sadd.s32 $0x88, s3;
	s6 =	simm.s32 @!p1 $0x1082;
	[sflag:s4] =	ssyncset.s32 $0xFFFFF086  }
0x25: {  	[simem:s6], [sflag:s4] =	dma.local [hbm:s3], $0xF7A  }
0x26: {  	[smem:$0x3F9B] =	sst s1;
	(tag) =	ssettag s2;
	_ =	strace s9  }
0x27: {  	s1 =	sld [smem:$0x3FAB]  }
0x28: {  	s2 =	sld [smem:$0x3FAC]  }
0x29: {  	s4 =	sld [smem:$0x3FAE]  }
0x2a: {  	p0 =	seq.s32 s5, $0x0;
	s5 =	sld [smem:$0x3FAF]  }
0x2b: {  	s6 =	sld [smem:$0x3FB0]  }
0x2c: {  	s7 =	sld [smem:$0x3FB1]  }
0x2d: {  	s3 =	simm.s32 $0x108;
	s8 =	sld [smem:$0x3FB2]  }
0x2e: {  	s3 =	simm.s32 @!p0 $0x1082;
	s9 =	sld [smem:$0x3FB3]  }
0x2f: {  	lr =	sadd.s32 s0, s3;
	s0 =	sld [smem:$0x3FAA]  }
0x30: {  	s3 =	sld [smem:$0x3FAD]  }
0x31: {  	[smem:$0x3FB6] =	sst s10  }
0x32: {  	s10 =	sld [smem:$0x3FB4];
	_ =	sdelay $0x3  }
0x33: {  	p0 =	seq.s32 s10, $0x1;
	s10 =	sld [smem:$0x3FB6];
	_ =	sdelay $0x3  }
0x34: {  	[smem:$0x3FB6] =	sst s10  }
0x35: {  	s10 =	sld [smem:$0x3FB5];
	_ =	sdelay $0x3  }
0x36: {  	p1 =	seq.s32 s10, $0x1;
	s10 =	sld [smem:$0x3FB6];
	_ =	sdelay $0x3  }
0x37: {  	[smem:$0x3FB6] =	sst s10  }
0x38: {  	s10 =	sld [smem:$0x3FB7]  }
0x39: {  	_ = 	snop;
	(pc) =	sbr.ind lr, $3  }
0x3a: {  	_ = 	snop  }
0x3b: {  	_ = 	snop  }
0x3c: {  	p2 =	seq.s32 s10, $0x1;
	s10 =	sld [smem:$0x3FB6]  }
0x3d: {  	_ =	shalt  }
0x3e: {  	_ =	shalt  }
0x3f: {  	_ =	shalt  }
0x40: {  	_ =	shalt  }
0x41: {  	_ =	shalt  }
0x42: {  	_ =	shalt  }
0x43: {  	_ =	shalt  }
0x44: {  	_ =	shalt  }
0x45: {  	_ =	shalt  }
0x46: {  	_ =	shalt  }
0x47: {  	_ =	shalt  }
0x48: {  	_ =	shalt  }
0x49: {  	_ =	shalt  }
0x4a: {  	_ =	shalt  }
0x4b: {  	_ =	shalt  }
0x4c: {  	_ =	shalt  }
0x4d: {  	_ =	shalt  }
0x4e: {  	_ =	shalt  }
0x4f: {  	_ =	shalt  }
0x50: {  	_ =	shalt  }
0x51: {  	_ =	shalt  }
0x52: {  	_ =	shalt  }
0x53: {  	_ =	shalt  }
0x54: {  	_ =	shalt  }
0x55: {  	_ =	shalt  }
0x56: {  	_ =	shalt  }
0x57: {  	_ =	shalt  }
0x58: {  	_ =	shalt  }
0x59: {  	_ =	shalt  }
0x5a: {  	_ =	shalt  }
0x5b: {  	_ =	shalt  }
0x5c: {  	_ =	shalt  }
0x5d: {  	_ =	shalt  }
0x5e: {  	_ =	shalt  }
0x5f: {  	_ =	shalt  }
0x60: {  	_ =	shalt  }
0x61: {  	_ =	shalt  }
0x62: {  	_ =	shalt  }
0x63: {  	_ =	shalt  }
0x64: {  	_ =	shalt  }
0x65: {  	_ =	shalt  }
0x66: {  	_ =	shalt  }
0x67: {  	_ =	shalt  }
0x68: {  	_ =	shalt  }
0x69: {  	_ =	shalt  }
0x6a: {  	_ =	shalt  }
0x6b: {  	_ =	shalt  }
0x6c: {  	_ =	shalt  }
0x6d: {  	_ =	shalt  }
0x6e: {  	_ =	shalt  }
0x6f: {  	_ =	shalt  }
0x70: {  	_ =	shalt  }
0x71: {  	_ =	shalt  }
0x72: {  	_ =	shalt  }
0x73: {  	_ =	shalt  }
0x74: {  	_ =	shalt  }
0x75: {  	_ =	shalt  }
0x76: {  	_ =	shalt  }
0x77: {  	_ =	shalt  }
0x78: {  	_ =	shalt  }
0x79: {  	_ =	shalt  }
0x7a: {  	_ =	shalt  }
0x7b: {  	_ =	shalt  }
0x7c: {  	_ =	shalt  }
0x7d: {  	_ =	shalt  }
0x7e: {  	_ =	shalt  }
0x7f: {  	_ =	shalt  }
0x80: {  	_ =	shalt  }
0x81: {  	_ =	shalt  }
0x82: {  	_ =	shalt  }
0x83: {  	_ =	shalt  }
0x84: {  	_ =	shalt  }
0x85: {  	_ =	shalt  }
0x86: {  	_ =	shalt  }
0x87: {  	_ =	shalt  }
.Lfunc_end0:
.L_simem_size_0:
called_computation_lowered:
.L_overlay_start_0:
0x88: {  	s2 =	sld [smem:$0x3FD9]  }
0x89: {  	s3 =	sld [smem:$0x3FFE];
	_ =	sdelay $0x1  }
0x8a: {  	s1 =	srdreg.scid  }
0x8b: {  	s0 =	sand.u32 $0x1, s1  }
0x8c: {  	s17 =	sshll.u32 s0, $0xA;
	s2 =	sadd.s32 s3, s2  }
0x8d: {  	s2 =	sadd.s32 s2, s17  }
0x8e: {  	[smem:$0x3FC2] =	sst s2  }
0x8f: {  	_ = 	snop  }
0x90: {  	s2 =	sld [smem:$0x3FD0];
	(tm) =	ssettm $0x1  }
0x91: {  	s18 =	sld [smem:$0x3FFB];
	_ =	sdelay $0x3  }
0x92: {  	_ =	strace s18  }
0x93: {  	s3 =	sld [smem:$0x3FFC];
	_ =	sdelay $0x3  }
0x94: {  	_ =	strace s3  }
0x95: {  	s3 =	sld [smem:$0x3FFD];
	_ =	sdelay $0x3  }
0x96: {  	_ =	strace s3  }
0x97: {  	_ =	strace $0x8FFFFFFF  }
0x98: {  	s19 =	sld [smem:$0x3FDB];
	_ =	sdelay $0x1  }
0x99: {  	s4 =	simm.s32 $_scs_section_size  }
0x9a: {  	s5 =	simm.s32 $_size__tile_overlayer_lowered;
	s6 =	simm.s32 $_tile_overlayer_lowered  }
0x9b: {  	s22 =	simm.s32 $0x1BFF;
	s21 =	sshll.u32 s6, $0x1;
	s3 =	sadd.s32 s4, s19  }
0x9c: {  	s7 =	simm.s32 $0x0;
	s20 =	sshll.u32 s5, $0x1;
	s5 =	sadd.s32 s21, s3  }
0x9d: {  	[timem:s7], [sflag:s22] =	dma.local [hbm:s5], s20  }
0x9e: {  	_ =	swait.ge [sflag:s22], s20  }
0x9f: {  	s4 =	ssub.s32 $0x0, s20;
	[sflag:s22] =	ssyncset.done $0x0  }
0xa0: {  	[sflag:s22] =	ssyncadd.s32 s4;
	_ =	sdelay $0x1  }
0xa1: {  	s23 =	simm.s32 $0x1B8B  }
0xa2: {  	_ =	swait.ge [sflag:s23], $0x1  }
0xa3: {  	[sflag:s23] =	ssyncset.done $0x0  }
0xa4: {  	s25 =	simm.s32 $0x1B8E;
	s24 =	sld [smem:$0x3FFE];
	[sflag:s23] =	ssyncadd.s32 $0xFFFFFFFF  }
0xa5: {  	s26 =	simm.s32 $execute0_lowered;
	[smem:$0x3FD2] =	sst s25  }
0xa6: {  	s5 =	sshll.u32 s26, $0x1;
	_ =	strace $0x80000046;
	[dreg:$0x1] =	wrdreg $0xFFFFFFFF  }
0xa7: {  	s28 =	simm.s32 $_size_execute0_lowered;
	s3 =	sadd.s32 s3, s5;
	[dreg:$0x0] =	wrdreg $0x0  }
0xa8: {  	s5 =	sshll.u32 s28, $0x1;
	[dreg:$0x2] =	wrdreg s3  }
0xa9: {  	[dreg:$0x3] =	wrdreg s5  }
0xaa: {  	[dreg:$0x4] =	wrdreg $0xC0  }
0xab: {  	_ =	task [dreg:s7], $0x5FFFF  }
0xac: {  	[dreg:$0x1] =	wrdreg $0xFFFFFFFF  }
0xad: {  	[dreg:$0x0] =	wrdreg $0x60  }
0xae: {  	[dreg:$0x2] =	wrdreg s24  }
0xaf: {  	[dreg:$0x3] =	wrdreg s2  }
0xb0: {  	[dreg:$0x4] =	wrdreg $0x9  }
0xb1: {  	_ =	task.clear_ibuf [dreg:s7], $0x5FFFF;
	_ =	strace $0x90000046  }
0xb2: {  	s29 =	simm.s32 $0x9;
	_ =	strace $0x80000048  }
0xb3: {  	_ =	swait.ge [sflag:s29], $0x1  }
0xb4: {  	[sflag:s29] =	ssyncadd.s32 $0xFFFFFFFF  }
0xb5: {  	_ =	strace $0x90000048  }
0xb6: {  	_ =	sfence  }
0xb7: {  	s30 =	sld [smem:$0x0];
	_ =	sdelay $0x2  }
0xb8: {  	s31 =	sshll.u32 s1, $0xD;
	s1 =	sshrl.u32 s1, $0x2  }
0xb9: {  	s3 =	sand.u32 $0x4000, s31;
	s1 =	sadd.s32 s1, s30  }
0xba: {  	s0 =	sor.u32 s3, s0;
	s1 =	sshll.u32 s1, $0x11  }
0xbb: {  	s0 =	sor.u32 s1, s0  }
0xbc: {  	s0 =	sadd.s32 $0x8F2B, s0  }
0xbd: {  	[sflag:s0] =	ssyncadd.remote.s32 $0x1  }
0xbe: {  	_ =	sfence.sel $0xFFFF  }
0xbf: {  	[dreg:$0x0] =	wrdreg $0xFFFFFFFF;
	(pc) =	sbr.abs _section_cstart, $3  }
0xc0: {  	[dreg:$0x1] =	wrdreg $0xFFFFFFFF  }
0xc1: {  	_ =	task.clear_ibuf [dreg:s7], $0x2FFFF;
	_ =	strace $0x9FFFFFFF  }
0xc2: {  	(tm) =	ssettm $0x7FFFFFFF  }
0xc3: {  	_ =	shalt  }
tec
execute0_lowered:
.L_overlay_start_1:
0x0: {  	(tag) =	ssettag $0x1  }
0x1: {  	v0 =	vimm.s32 $0xB80;
	vm0 =	vcmask $0x300  }
0x2: {  	vm14 =	vcmask $0x704;
	v0 =	vsel vm0, $0x0, v0  }
0x3: {  	vm15 =	vcmask $0xB08;
	v0 =	vsel vm14, $0x80, v0  }
0x4: {  	vm4 =	vcmask $0xF0C;
	v0 =	vsel vm15, $0x100, v0  }
0x5: {  	vm5 =	vcmask $0x1310;
	v0 =	vsel vm4, $0x180, v0  }
0x6: {  	s4 =	rddreg [dreg:$0x0];
	vm6 =	vcmask $0x1714;
	v0 =	vsel vm5, $0x200, v0  }
0x7: {  	s5 =	rddreg [dreg:$0x1];
	vm7 =	vcmask $0x1B18;
	v0 =	vsel vm6, $0x280, v0  }
0x8: {  	s0 =	rddreg [dreg:$0x2];
	s3 =	srdreg.scid;
	vm8 =	vcmask $0x1F1C;
	s2 =	simm.s32 $0x0;
	v0 =	vsel vm7, $0x300, v0  }
0x9: {  	s1 =	stileid.u32;
	vm9 =	vcmask $0x2320;
	s9 =	simm.s32 $0x101A0;
	s10 =	simm.s32 $0x28A0;
	v0 =	vsel vm8, $0x380, v0  }
0xa: {  	vm10 =	vcmask $0x2724;
	s11 =	simm.s32 $0x3520;
	s12 =	simm.s32 $0x80;
	s13 =	simm.s32 $0x103D0;
	v0 =	vsel vm9, $0x800, v0  }
0xb: {  	vm11 =	vcmask $0x2B28;
	s14 =	simm.s32 $0x2;
	s15 =	simm.s32 $0x0;
	s3 =	sand.u32 $0x1, s3;
	v0 =	vsel vm10, $0x880, v0  }
.Ltmp0:
0xc: {  	vm12 =	vcmask $0x2F2C;
	[smem:$0x7FF] =	sst s2;
	s7 =	sshll.u32 s1, $0x1;
	v0 =	vsel vm11, $0x900, v0;
	(pc) =	sbr.rel .LBB2_1-.Ltmp0, $4  }
0xd: {  	vm13 =	vcmask $0x3330;
	s6 =	ssub.s32 $0x2, s3;
	_ =	strace $0x80000047;
	s7 =	sor.u32 s3, s7;
	v1 =	vsel vm12, $0x980, v0  }
0xe: {  	v3 =	vlaneseq.u32;
	s3 =	sadd.s32 $0xC00, s4;
	vm14 =	vcmask $0x3734;
	s8 =	sshrl.u32 s6, $0x1;
	s31 =	sshll.u32 s7, $0x11;
	v2 =	vsel vm13, $0xA00, v1  }
0xf: {  	s4 =	sadd.s32 $0x1E200, s4;
	vm15 =	vcmask $0x3B38;
	s6 =	ssub.s32 s6, s8;
	s5 =	sadd.s32 s5, s31;
	v0 =	vmov s7;
	v4 =	vsel vm14, $0xA80, v2  }
0x10: {  	s8 =	simm.s32 $0x1;
	s6 =	smax.u32 s6, $0x1;
	s7 =	simm.s32 $0x3;
	v1 =	vimm.f32 $0.0e+00;
	v2 =	vimm.s32 $0x0;
	v4 =	vsel vm15, $0xB00, v4  }
.LBB2_42:
0x11: {  	_ =	swait.ge [sflag:s14], $0x1000  }
0x12: {  	[sflag:s14] =	ssyncset.done $0x0  }
0x13: {  	[sflag:s14] =	ssyncadd.s32 $0xFFFFF000  }
0x14: {  	_ =	swait.ge [sflag:s14], $0x1000  }
0x15: {  	[sflag:s14] =	ssyncset.done $0x0  }
0x16: {  	s15 =	sadd.s32 $0x1, s15;
	[sflag:s14] =	ssyncadd.s32 $0xFFFFF000  }
0x17: {  	p0 =	sne.s32 s15, s6;
	_ =	swait.ge [sflag:s14], $0x1000  }
.Ltmp1:
0x18: {  	[sflag:s14] =	ssyncset.done $0x0;
	(pc) =	sbr.rel @!p0 .LBB2_43-.Ltmp1, $4  }
0x19: {  	[sflag:s14] =	ssyncadd.s32 $0xFFFFF000  }
0x1a: {  	_ =	swait.ge [sflag:s14], $0x1000  }
0x1b: {  	[sflag:s14] =	ssyncset.done $0x0  }
0x1c: {  	[sflag:s14] =	ssyncadd.s32 $0xFFFFF000  }
.LBB2_1:
0x1d: {  	s16 =	simm.s32 $0x40;
	s17 =	simm.s32 $0x0  }
.LBB2_2:
0x1e: {  	p0 =	sne.s32 s16, $0xFFC0;
	[tilespmem:s17+$0x103D0] =	vst v1;
	s17 =	smov.u32 s16;
	s16 =	sadd.s32 $0x40, s16  }
.Ltmp2:
0x1f: {  	(pc) =	sbr.rel @p0 .LBB2_2-.Ltmp2, $2  }
0x20: {  	_ =	sdelay $0x2  }
0x21: {  	s17 =	sshra.s32 s17, $0x2  }
0x22: {  	[tilespmem:s17+$0x103D0] =	vst v1  }
0x23: {  	[tilespmem:$0x101A0] =	vst v2  }
0x24: {  	[tilespmem:$0x101B0] =	vst v2  }
0x25: {  	[tilespmem:$0x101C0] =	vst v2  }
0x26: {  	[tilespmem:$0x101D0] =	vst v2  }
0x27: {  	[tilespmem:$0x101E0] =	vst v2  }
0x28: {  	[tilespmem:$0x101F0] =	vst v2  }
0x29: {  	[tilespmem:$0x10200] =	vst v2  }
0x2a: {  	[tilespmem:$0x10210] =	vst v2  }
0x2b: {  	[tilespmem:$0x10220] =	vst v2  }
0x2c: {  	[tilespmem:$0x10230] =	vst v2  }
0x2d: {  	[tilespmem:$0x10240] =	vst v2  }
0x2e: {  	[tilespmem:$0x10250] =	vst v2  }
0x2f: {  	[tilespmem:$0x10260] =	vst v2  }
0x30: {  	[tilespmem:$0x10270] =	vst v2  }
0x31: {  	[tilespmem:$0x10280] =	vst v2  }
0x32: {  	[tilespmem:$0x10290] =	vst v2  }
0x33: {  	s16 =	simm.s32 $0x0;
	s18 =	simm.s32 $0x0;
	[tilespmem:$0x102A0] =	vst v2  }
.LBB2_4:
0x34: {  	s17 =	smul.u32 $0xFA0, s18;
	_ =	sdelay $0x1  }
0x35: {  	s19 =	sshrl.u32 s17, $0x3  }
0x36: {  	s19 =	sadd.s32 s4, s19  }
0x37: {  	[tilespmem:s2], [sflag:$0x3] =	stream.linear.gather [hbm4b:s19+s2], $0xFA0, $0x38;
	[tilespmem:$0x143D0] =	vst v63  }
0x38: {  	_ =	swait.ge [sflag:s7], $0xFA0  }
0x39: {  	[sflag:s7] =	ssyncset.done $0x0  }
0x3a: {  	s20 =	simm.s32 $0x20;
	[sflag:s7] =	ssyncadd.s32 $0xFFFFF060  }
0x3b: {  	v6 =	vld [tilespmem:s20+$0xFFFFFFE0];
	_ =	sdelay $0x4  }
0x3c: {  	v5 =	vshra.s32 v6, $0x10  }
0x3d: {  	vm0 =	veq.s32 v5, v0  }
0x3e: {  	v5 =	vmpcnt.ones.xlane vm0;
	_ =	sdelay $0x1  }
0x3f: {  	(v2sf) =	vpush v5, $0x0;
	_ =	sdelay $0x2  }
0x40: {  	s21 =	simm.s32 $0x0;
	v5 =	vor.u32 s17, v3  }
0x41: {  	[tilespmem:s16+$0xFA0] =	vst.msk vm0, v6;
	v7 =	vadd.s32 s21, v5  }
0x42: {  	[tilespmem:s16+$0x1C20] =	vst.msk vm0, v7  }
0x43: {  	v6 =	vld [tilespmem:s20+$0xFFFFFFF0];
	_ =	sdelay $0x4  }
0x44: {  	v7 =	vshra.s32 v6, $0x10  }
0x45: {  	vm0 =	veq.s32 v7, v0  }
0x46: {  	v7 =	vmpcnt.ones.xlane vm0;
	_ =	sdelay $0x1  }
0x47: {  	(v2sf) =	vpush v7, $0x0;
	s22 =	spop (v2sf)  }
0x48: {  	s24 =	simm.s32 $0x10;
	s23 =	sadd.s32 s16, s22  }
0x49: {  	v7 =	vadd.s32 s24, v5;
	[tilespmem:s23+$0xFA0] =	vst.msk vm0, v6  }
0x4a: {  	[tilespmem:s23+$0x1C20] =	vst.msk vm0, v7  }
0x4b: {  	v6 =	vld [tilespmem:s20+$0x0];
	_ =	sdelay $0x4  }
0x4c: {  	v7 =	vshra.s32 v6, $0x10  }
0x4d: {  	vm0 =	veq.s32 v7, v0  }
0x4e: {  	v7 =	vmpcnt.ones.xlane vm0;
	_ =	sdelay $0x1  }
0x4f: {  	(v2sf) =	vpush v7, $0x0;
	_ =	sdelay $0x1  }
0x50: {  	s25 =	spop (v2sf)  }
0x51: {  	s26 =	simm.s32 $0x20;
	s16 =	sadd.s32 s23, s25  }
0x52: {  	v7 =	vadd.s32 s26, v5;
	[tilespmem:s16+$0xFA0] =	vst.msk vm0, v6  }
0x53: {  	[tilespmem:s16+$0x1C20] =	vst.msk vm0, v7  }
0x54: {  	v6 =	vld [tilespmem:s20+$0x10];
	_ =	sdelay $0x4  }
0x55: {  	v7 =	vshra.s32 v6, $0x10  }
0x56: {  	vm0 =	veq.s32 v7, v0  }
0x57: {  	v7 =	vmpcnt.ones.xlane vm0;
	_ =	sdelay $0x1  }
0x58: {  	(v2sf) =	vpush v7, $0x0;
	s28 =	spop (v2sf)  }
0x59: {  	s29 =	simm.s32 $0x30;
	s16 =	sadd.s32 s16, s28  }
0x5a: {  	v7 =	vadd.s32 s29, v5;
	[tilespmem:s16+$0xFA0] =	vst.msk vm0, v6  }
0x5b: {  	[tilespmem:s16+$0x1C20] =	vst.msk vm0, v7  }
0x5c: {  	v6 =	vld [tilespmem:s20+$0x20];
	_ =	sdelay $0x4  }
0x5d: {  	v7 =	vshra.s32 v6, $0x10  }
0x5e: {  	vm0 =	veq.s32 v7, v0  }
0x5f: {  	v7 =	vmpcnt.ones.xlane vm0;
	_ =	sdelay $0x1  }
0x60: {  	(v2sf) =	vpush v7, $0x0;
	_ =	sdelay $0x1  }
0x61: {  	s30 =	spop (v2sf)  }
0x62: {  	s31 =	simm.s32 $0x40;
	s21 =	sadd.s32 s16, s30  }
0x63: {  	v7 =	vadd.s32 s31, v5;
	[tilespmem:s21+$0xFA0] =	vst.msk vm0, v6  }
0x64: {  	s19 =	simm.s32 $0x70;
	[tilespmem:s21+$0x1C20] =	vst.msk vm0, v7  }
0x65: {  	v6 =	vld [tilespmem:s19+$0xFFFFFFE0];
	_ =	sdelay $0x4  }
0x66: {  	v7 =	vshra.s32 v6, $0x10  }
0x67: {  	vm0 =	veq.s32 v7, v0  }
0x68: {  	v7 =	vmpcnt.ones.xlane vm0;
	_ =	sdelay $0x1  }
0x69: {  	s22 =	simm.s32 $0xE0;
	s16 =	simm.s32 $0x90;
	(v2sf) =	vpush v7, $0x0;
	s20 =	spop (v2sf)  }
.LBB2_5:
0x6a: {  	s23 =	sadd.s32 $0xFFFFFFC0, s16  }
0x6b: {  	s21 =	sadd.s32 s21, s20;
	s20 =	smov.u32 s22;
	s17 =	sadd.s32 $0x50, s22  }
0x6c: {  	p0 =	sne.s32 s22, $0xF90;
	v7 =	vadd.s32 s23, v5;
	[tilespmem:s21+$0xFA0] =	vst.msk vm0, v6  }
0x6d: {  	[tilespmem:s21+$0x1C20] =	vst.msk vm0, v7  }
0x6e: {  	v6 =	vld [tilespmem:s19+$0xFFFFFFF0];
	_ =	sdelay $0x4  }
0x6f: {  	v7 =	vshra.s32 v6, $0x10  }
0x70: {  	vm0 =	veq.s32 v7, v0  }
0x71: {  	v7 =	vmpcnt.ones.xlane vm0;
	_ =	sdelay $0x1  }
0x72: {  	(v2sf) =	vpush v7, $0x0  }
0x73: {  	s22 =	spop (v2sf)  }
0x74: {  	s21 =	sadd.s32 s21, s22;
	s22 =	sadd.s32 $0xFFFFFFD0, s16  }
0x75: {  	v7 =	vadd.s32 s22, v5;
	[tilespmem:s21+$0xFA0] =	vst.msk vm0, v6  }
0x76: {  	[tilespmem:s21+$0x1C20] =	vst.msk vm0, v7  }
0x77: {  	v6 =	vld [tilespmem:s19+$0x0];
	_ =	sdelay $0x4  }
0x78: {  	v7 =	vshra.s32 v6, $0x10  }
0x79: {  	vm0 =	veq.s32 v7, v0  }
0x7a: {  	v7 =	vmpcnt.ones.xlane vm0;
	_ =	sdelay $0x1  }
0x7b: {  	(v2sf) =	vpush v7, $0x0  }
0x7c: {  	s22 =	spop (v2sf)  }
0x7d: {  	s21 =	sadd.s32 s21, s22;
	s22 =	sadd.s32 $0xFFFFFFE0, s16  }
0x7e: {  	v7 =	vadd.s32 s22, v5;
	[tilespmem:s21+$0xFA0] =	vst.msk vm0, v6  }
0x7f: {  	[tilespmem:s21+$0x1C20] =	vst.msk vm0, v7  }
0x80: {  	v6 =	vld [tilespmem:s19+$0x10];
	_ =	sdelay $0x4  }
0x81: {  	v7 =	vshra.s32 v6, $0x10  }
0x82: {  	vm0 =	veq.s32 v7, v0  }
0x83: {  	v7 =	vmpcnt.ones.xlane vm0;
	_ =	sdelay $0x1  }
0x84: {  	(v2sf) =	vpush v7, $0x0  }
0x85: {  	s22 =	spop (v2sf)  }
0x86: {  	s21 =	sadd.s32 s21, s22;
	s22 =	sadd.s32 $0xFFFFFFF0, s16  }
0x87: {  	v7 =	vadd.s32 s22, v5;
	[tilespmem:s21+$0xFA0] =	vst.msk vm0, v6  }
0x88: {  	[tilespmem:s21+$0x1C20] =	vst.msk vm0, v7  }
0x89: {  	v6 =	vld [tilespmem:s19+$0x20];
	_ =	sdelay $0x4  }
0x8a: {  	v7 =	vshra.s32 v6, $0x10  }
0x8b: {  	vm0 =	veq.s32 v7, v0  }
0x8c: {  	v7 =	vmpcnt.ones.xlane vm0;
	_ =	sdelay $0x1  }
0x8d: {  	(v2sf) =	vpush v7, $0x0  }
0x8e: {  	s22 =	spop (v2sf)  }
0x8f: {  	s21 =	sadd.s32 s21, s22  }
0x90: {  	v7 =	vadd.s32 s16, v5;
	s16 =	smov.u32 s20;
	[tilespmem:s21+$0xFA0] =	vst.msk vm0, v6  }
0x91: {  	s19 =	sadd.s32 $0x50, s19;
	[tilespmem:s21+$0x1C20] =	vst.msk vm0, v7  }
0x92: {  	v6 =	vld [tilespmem:s19+$0xFFFFFFE0];
	_ =	sdelay $0x4  }
0x93: {  	v7 =	vshra.s32 v6, $0x10  }
.Ltmp3:
0x94: {  	vm0 =	veq.s32 v7, v0;
	(pc) =	sbr.rel @p0 .LBB2_5-.Ltmp3, $3  }
0x95: {  	v7 =	vmpcnt.ones.xlane vm0;
	_ =	sdelay $0x1  }
0x96: {  	(v2sf) =	vpush v7, $0x0  }
0x97: {  	s22 =	smov.u32 s17;
	s20 =	spop (v2sf)  }
0x98: {  	_ =	sdelay $0x4  }
0x99: {  	s22 =	sadd.s32 $0xFFFFFFC0, s16;
	s17 =	sadd.s32 s21, s20  }
0x9a: {  	v7 =	vadd.s32 s22, v5;
	[tilespmem:s17+$0xFA0] =	vst.msk vm0, v6  }
0x9b: {  	[tilespmem:s17+$0x1C20] =	vst.msk vm0, v7  }
0x9c: {  	v6 =	vld [tilespmem:s19+$0xFFFFFFF0];
	_ =	sdelay $0x4  }
0x9d: {  	v7 =	vshra.s32 v6, $0x10;
	s21 =	spop (v2sf)  }
0x9e: {  	s30 =	sadd.s32 $0xFFFFFFD0, s16;
	vm12 =	veq.s32 v7, v0;
	s20 =	sadd.s32 s17, s21  }
0x9f: {  	v7 =	vmpcnt.ones.xlane vm12;
	[tilespmem:s20+$0xFA0] =	vst.msk vm12, v6;
	v6 =	vadd.s32 s30, v5  }
0xa0: {  	[tilespmem:s20+$0x1C20] =	vst.msk vm12, v6  }
0xa1: {  	(v2sf) =	vpush v7, $0x0;
	v6 =	vld [tilespmem:s19+$0x0];
	_ =	sdelay $0x4  }
0xa2: {  	v7 =	vshra.s32 v6, $0x10  }
0xa3: {  	vm13 =	veq.s32 v7, v0  }
0xa4: {  	v7 =	vmpcnt.ones.xlane vm13;
	_ =	sdelay $0x1  }
0xa5: {  	(v2sf) =	vpush v7, $0x0;
	_ =	sdelay $0x5  }
0xa6: {  	s22 =	spop (v2sf)  }
0xa7: {  	s23 =	sadd.s32 $0xFFFFFFE0, s16;
	s20 =	sadd.s32 s20, s22  }
0xa8: {  	v7 =	vadd.s32 s23, v5;
	[tilespmem:s20+$0xFA0] =	vst.msk vm13, v6  }
0xa9: {  	[tilespmem:s20+$0x1C20] =	vst.msk vm13, v7  }
0xaa: {  	v6 =	vld [tilespmem:s19+$0x10];
	_ =	sdelay $0x4  }
0xab: {  	v7 =	vshra.s32 v6, $0x10;
	s23 =	spop (v2sf)  }
0xac: {  	s24 =	sadd.s32 $0xFFFFFFF0, s16;
	vm14 =	veq.s32 v7, v0;
	s20 =	sadd.s32 s20, s23  }
0xad: {  	v7 =	vadd.s32 s24, v5;
	[tilespmem:s20+$0xFA0] =	vst.msk vm14, v6  }
0xae: {  	[tilespmem:s20+$0x1C20] =	vst.msk vm14, v7  }
0xaf: {  	v6 =	vld [tilespmem:s19+$0x20];
	_ =	sdelay $0x4  }
0xb0: {  	v7 =	vmpcnt.ones.xlane vm14;
	v8 =	vshra.s32 v6, $0x10  }
0xb1: {  	vm15 =	veq.s32 v8, v0  }
0xb2: {  	(v2sf) =	vpush v7, $0x0;
	v7 =	vmpcnt.ones.xlane vm15;
	_ =	sdelay $0x1  }
0xb3: {  	(v2sf) =	vpush v7, $0x0;
	_ =	sdelay $0x9  }
0xb4: {  	s18 =	sadd.s32 $0x1, s18  }
0xb5: {  	p0 =	sne.s32 s18, $0xF  }
.Ltmp4:
0xb6: {  	_ = 	snop;
	(pc) =	sbr.rel @p0 .LBB2_4-.Ltmp4, $4  }
0xb7: {  	s19 =	spop (v2sf)  }
0xb8: {  	s31 =	sadd.s32 s20, s19  }
0xb9: {  	v5 =	vadd.s32 s16, v5;
	[tilespmem:s31+$0xFA0] =	vst.msk vm15, v6;
	s20 =	spop (v2sf)  }
0xba: {  	[tilespmem:s31+$0x1C20] =	vst.msk vm15, v5;
	s16 =	sadd.s32 s31, s20  }
0xbb: {  	s18 =	sadd.s32 $0xF, s16  }
0xbc: {  	s24 =	sand.u32 $0xF, s18  }
0xbd: {  	s31 =	sshra.s32 s18, $0x1F;
	p1 =	slt.s32 s18, $0x1;
	p0 =	sne.s32 s24, $0x0  }
0xbe: {  	s24 =	sshrl.u32 s31, $0x1C;
	p0 =	por !p1, !p0  }
0xbf: {  	s18 =	sadd.s32 s24, s18;
	s24 =	simm.s32 $0x1;
	p0 =	por !p0, !p0  }
0xc0: {  	s18 =	sshra.s32 s18, $0x4;
	s24 =	simm.s32 @!p0 $0x0  }
0xc1: {  	s18 =	ssub.s32 s18, s24  }
0xc2: {  	p0 =	slt.s32 s18, $0x1  }
.Ltmp5:
0xc3: {  	_ = 	snop;
	(pc) =	sbr.rel @p0 .LBB2_14-.Ltmp5, $3  }
0xc4: {  	_ =	sdelay $0x1  }
0xc5: {  	s21 =	sadd.s32 s22, s21  }
0xc6: {  	s21 =	sadd.s32 s23, s21  }
0xc7: {  	p2 =	sne.s32 s18, $0x1  }
.Ltmp6:
0xc8: {  	_ = 	snop;
	(pc) =	sbr.rel @!p2 .LBB2_9-.Ltmp6, $4  }
0xc9: {  	_ = 	snop  }
0xca: {  	s22 =	sadd.s32 s19, s21  }
0xcb: {  	s23 =	simm.s32 $0xFA0;
	s22 =	sadd.s32 s20, s22  }
0xcc: {  	p1 =	por $0x0, $0x0;
	v5 =	vld [tilespmem:s23+$0x0];
	s23 =	sadd.s32 $0xFFFFFFFF, s18;
	s22 =	sadd.s32 s17, s22  }
0xcd: {  	_ =	sdelay $0x3  }
0xce: {  	v6 =	vmov s22;
	v5 =	vshrl.u32 v5, $0x8  }
0xcf: {  	vm0 =	vgt.s32 v6, v3;
	v5 =	vand.u32 $0xFF, v5  }
0xd0: {  	(xrf1) =	vunique.msk.u32 vm0, v5;
	_ =	sdelay $0xd  }
0xd1: {  	_, v6, vm1 =	vpop (xrf1)  }
0xd2: {  	vm0 =	vmand vm0, vm1;
	_ =	sdelay $0x1  }
0xd3: {  	p2 =	sne.s32 s23, $0x1  }
.Ltmp7:
0xd4: {  	_ = 	snop;
	(pc) =	sbr.rel @!p2 .LBB2_11-.Ltmp7, $3  }
0xd5: {  	_ =	sdelay $0x1  }
0xd6: {  	s24 =	simm.s32 $0xFB0;
	[tilespmem:v5+s9+$0x0] =	vst.idx.add.s32.msk vm0, v6  }
0xd7: {  	s25 =	sadd.s32 $0xFFFFFFFF, s23;
	p1 =	por $0x1, $0x1;
	s23 =	smov.u32 s22;
	v5 =	vld [tilespmem:s24+$0x0]  }
.LBB2_12:
0xd8: {  	p2 =	sne.s32 s25, $0x1;
	_ =	sdelay $0x2  }
0xd9: {  	s23 =	sadd.s32 $0xFFFFFFF0, s23  }
0xda: {  	v6 =	vmov s23;
	v5 =	vshrl.u32 v5, $0x8  }
0xdb: {  	vm0 =	vgt.s32 v6, v3;
	v5 =	vand.u32 $0xFF, v5  }
0xdc: {  	(xrf1) =	vunique.msk.u32 vm0, v5;
	_ =	sdelay $0xd  }
0xdd: {  	_, v6, vm1 =	vpop (xrf1)  }
0xde: {  	vm0 =	vmand vm0, vm1;
	_ =	sdelay $0x2  }
.Ltmp8:
0xdf: {  	(pc) =	sbr.rel @p2 .LBB2_12-.Ltmp8, $3  }
0xe0: {  	_ =	sdelay $0x1  }
0xe1: {  	s24 =	sadd.s32 $0x10, s24;
	[tilespmem:v5+s9+$0x0] =	vst.idx.add.s32.msk vm0, v6  }
0xe2: {  	s25 =	sadd.s32 $0xFFFFFFFF, s25;
	v5 =	vld [tilespmem:s24+$0x0]  }
.LBB2_13:
0xe3: {  	_ =	sdelay $0x1  }
0xe4: {  	s23 =	sadd.s32 @p1 $0xFFFFFFF0, s23  }
0xe5: {  	s22 =	smov.u32 @p1 s23  }
0xe6: {  	v6 =	vmov s22;
	v5 =	vshrl.u32 v5, $0x8  }
0xe7: {  	vm0 =	vgt.s32 v6, v3;
	v5 =	vand.u32 $0xFF, v5  }
0xe8: {  	(xrf1) =	vunique.msk.u32 vm0, v5;
	_ =	sdelay $0xd  }
0xe9: {  	_, v6, vm1 =	vpop (xrf1)  }
0xea: {  	vm0 =	vmand vm0, vm1;
	_ =	sdelay $0x5  }
0xeb: {  	[tilespmem:v5+s9+$0x0] =	vst.idx.add.s32.msk vm0, v6  }
.LBB2_14:
0xec: {  	s24 =	simm.s32 $0x0  }
0xed: {  	s22 =	simm.s32 $0x10;
	v6 =	vld [tilespmem:s24+$0x101A0]  }
0xee: {  	v5 =	vld [tilespmem:s22+$0x101A0];
	_ =	sdelay $0x3  }
0xef: {  	(xrf0) =	vadd.scan.msk.s32 $0xffff, v6  }
0xf0: {  	(xrf0) =	vadd.scan.msk.s32 $0xffff, v5;
	_ =	sdelay $0x4  }
0xf1: {  	s23 =	simm.s32 $0x20;
	v10, _, _ =	vpop (xrf0)  }
0xf2: {  	v8 =	vld [tilespmem:s23+$0x101A0];
	(v2sf) =	vpush v10, $0xF;
	v9, _, _ =	vpop (xrf0)  }
0xf3: {  	(v2sf) =	vpush v9, $0xF;
	_ =	sdelay $0x3  }
0xf4: {  	s25 =	simm.s32 $0x30;
	(xrf0) =	vadd.scan.msk.s32 $0xffff, v8  }
0xf5: {  	v7 =	vld [tilespmem:s25+$0x101A0];
	_ =	sdelay $0x3  }
0xf6: {  	s26 =	simm.s32 $0x0;
	s28 =	simm.s32 $0x100  }
.LBB2_15:
0xf7: {  	s29 =	sshra.s32 s28, $0x2;
	p1 =	sne.s32 s28, $0x3C0;
	s28 =	sadd.s32 $0x40, s28;
	(xrf0) =	vadd.scan.msk.s32 $0xffff, v7;
	v11, _, _ =	vpop (xrf0);
	v12 =	vsub.s32 s26, v6;
	v6 =	vmov v5;
	v5 =	vmov v8  }
.Ltmp9:
0xf8: {  	v8 =	vmovc v7;
	(v2sf) =	vpush v11, $0xF;
	v12 =	vadd.s32 v10, v12;
	v10 =	vmovc v9;
	v9 =	vmov v11;
	v7 =	vld [tilespmem:s29+$0x101A0];
	(pc) =	sbr.rel @p1 .LBB2_15-.Ltmp9, $4  }
0xf9: {  	[tilespmem:s24+$0x102B0] =	vst v12;
	s24 =	smov.u32 s22;
	s22 =	smov.u32 s23;
	s23 =	smov.u32 s25  }
0xfa: {  	s25 =	smov.u32 s29  }
0xfb: {  	s29 =	spop (v2sf)  }
0xfc: {  	s26 =	sadd.s32 s26, s29  }
0xfd: {  	(xrf0) =	vadd.scan.msk.s32 $0xffff, v7;
	v11, _, _ =	vpop (xrf0)  }
0xfe: {  	(v2sf) =	vpush v11, $0xF;
	_ =	sdelay $0x4  }
0xff: {  	v12, _, _ =	vpop (xrf0)  }
0x100: {  	(v2sf) =	vpush v12, $0xF;
	_ =	sdelay $0x6  }
0x101: {  	s28 =	spop (v2sf)  }
0x102: {  	v6 =	vsub.s32 s26, v6;
	s30 =	sadd.s32 s26, s28;
	s31 =	spop (v2sf)  }
0x103: {  	v6 =	vadd.s32 v10, v6;
	v5 =	vsub.s32 s30, v5;
	s26 =	sadd.s32 s30, s31;
	s29 =	spop (v2sf)  }
0x104: {  	[tilespmem:s24+$0x102B0] =	vst v6;
	v5 =	vadd.s32 v9, v5;
	v6 =	vsub.s32 s26, v8;
	s30 =	sadd.s32 s26, s29  }
0x105: {  	[tilespmem:s22+$0x102B0] =	vst v5;
	v5 =	vadd.s32 v11, v6;
	v6 =	vsub.s32 s30, v7  }
0x106: {  	[tilespmem:s23+$0x102B0] =	vst v5;
	v5 =	vadd.s32 v12, v6  }
0x107: {  	[tilespmem:s25+$0x102B0] =	vst v5  }
0x108: {  	v5 =	vld [tilespmem:$0x102B0]  }
0x109: {  	v6 =	vld [tilespmem:$0x102C0];
	s31 =	spop (v2sf)  }
0x10a: {  	v7 =	vld [tilespmem:$0x102D0];
	s22 =	sadd.s32 s30, s31  }
0x10b: {  	v58 =	vld [tilespmem:$0x102E0];
	v57 =	vmov s22  }
0x10c: {  	v59 =	vld [tilespmem:$0x102F0];
	[tilespmem:$0x103B0] =	vst v57  }
0x10d: {  	[tilespmem:$0x101A0] =	vst v5;
	v5 =	vld [tilespmem:$0x10300]  }
0x10e: {  	v60 =	vld [tilespmem:$0x10330];
	[tilespmem:$0x101B0] =	vst v6  }
0x10f: {  	v61 =	vld [tilespmem:$0x10340];
	[tilespmem:$0x101C0] =	vst v7  }
0x110: {  	v6 =	vld [tilespmem:$0x10310];
	[tilespmem:$0x101D0] =	vst v58  }
0x111: {  	v7 =	vld [tilespmem:$0x10320];
	[tilespmem:$0x101E0] =	vst v59  }
0x112: {  	[tilespmem:$0x101F0] =	vst v5;
	v5 =	vld [tilespmem:$0x10350]  }
0x113: {  	v62 =	vld [tilespmem:$0x10380];
	[tilespmem:$0x10220] =	vst v60  }
0x114: {  	v63 =	vld [tilespmem:$0x10390];
	[tilespmem:$0x10230] =	vst v61  }
0x115: {  	[tilespmem:$0x10200] =	vst v6;
	v6 =	vld [tilespmem:$0x10360]  }
0x116: {  	[tilespmem:$0x10210] =	vst v7;
	v7 =	vld [tilespmem:$0x10370]  }
0x117: {  	[tilespmem:$0x10240] =	vst v5;
	v5 =	vld [tilespmem:$0x103A0]  }
.Ltmp10:
0x118: {  	[tilespmem:$0x10270] =	vst v62;
	(pc) =	sbr.rel @p0 .LBB2_23-.Ltmp10, $4  }
0x119: {  	[tilespmem:$0x10280] =	vst v63  }
0x11a: {  	[tilespmem:$0x10250] =	vst v6  }
0x11b: {  	[tilespmem:$0x10260] =	vst v7  }
0x11c: {  	[tilespmem:$0x10290] =	vst v5  }
0x11d: {  	p1 =	sne.s32 s18, $0x1  }
.Ltmp11:
0x11e: {  	_ = 	snop;
	(pc) =	sbr.rel @!p1 .LBB2_18-.Ltmp11, $4  }
0x11f: {  	_ = 	snop  }
0x120: {  	s19 =	sadd.s32 s19, s21;
	s30 =	simm.s32 $0xFA0  }
0x121: {  	s31 =	simm.s32 $0x1C20;
	s19 =	sadd.s32 s20, s19;
	v5 =	vld [tilespmem:s30+$0x0]  }
0x122: {  	p0 =	por $0x0, $0x0;
	v6 =	vld [tilespmem:s31+$0x0];
	s17 =	sadd.s32 s17, s19;
	s19 =	sadd.s32 $0xFFFFFFFF, s18  }
0x123: {  	_ =	sdelay $0x2  }
0x124: {  	v8 =	vmov s17;
	v7 =	vshrl.u32 v5, $0x8  }
0x125: {  	vm0 =	vgt.s32 v8, v3;
	v7 =	vand.u32 $0xFF, v7  }
0x126: {  	(xrf1) =	vunique.msk.u32 vm0, v7;
	_ =	sdelay $0x9  }
0x127: {  	v8 =	vld.idx.msk [tilespmem:v7+s9+$0x0], $0xffff;
	_ =	sdelay $0x3  }
0x128: {  	_, v9, vm1 =	vpop (xrf1)  }
0x129: {  	v8 =	vadd.s32 v9, v8  }
0x12a: {  	v8 =	vadd.s32 $0xFFFFFFFF, v8  }
0x12b: {  	vm1 =	vmand vm0, vm1;
	_ =	sdelay $0x3  }
0x12c: {  	p1 =	sne.s32 s19, $0x1;
	[tilespmem:v8+s10+$0x0] =	vst.idx.msk vm0, v5  }
.Ltmp12:
0x12d: {  	[tilespmem:v8+s11+$0x0] =	vst.idx.msk vm0, v6;
	(pc) =	sbr.rel @!p1 .LBB2_20-.Ltmp12, $4  }
0x12e: {  	s18 =	simm.s32 $0xFB0;
	[tilespmem:v7+s9+$0x0] =	vst.idx.add.s32.msk vm1, v9  }
0x12f: {  	v5 =	vld [tilespmem:s18+$0x0]  }
0x130: {  	s20 =	simm.s32 $0x1C30  }
0x131: {  	s21 =	sadd.s32 $0xFFFFFFFF, s19;
	p0 =	por $0x1, $0x1;
	s19 =	smov.u32 s17;
	v6 =	vld [tilespmem:s20+$0x0]  }
.LBB2_21:
0x132: {  	p1 =	sne.s32 s21, $0x1  }
0x133: {  	s19 =	sadd.s32 $0xFFFFFFF0, s19  }
0x134: {  	v8 =	vmov s19;
	v7 =	vshrl.u32 v5, $0x8  }
0x135: {  	vm0 =	vgt.s32 v8, v3;
	v7 =	vand.u32 $0xFF, v7  }
0x136: {  	(xrf1) =	vunique.msk.u32 vm0, v7;
	_ =	sdelay $0x8  }
0x137: {  	v8 =	vld.idx.msk [tilespmem:v7+s9+$0x0], $0xffff;
	_ =	sdelay $0x4  }
0x138: {  	_, v9, vm1 =	vpop (xrf1)  }
0x139: {  	v8 =	vadd.s32 v9, v8;
	vm1 =	vmand vm0, vm1  }
0x13a: {  	v8 =	vadd.s32 $0xFFFFFFFF, v8;
	_ =	sdelay $0x4  }
0x13b: {  	[tilespmem:v8+s10+$0x0] =	vst.idx.msk vm0, v5  }
.Ltmp13:
0x13c: {  	[tilespmem:v8+s11+$0x0] =	vst.idx.msk vm0, v6;
	(pc) =	sbr.rel @p1 .LBB2_21-.Ltmp13, $4  }
0x13d: {  	s18 =	sadd.s32 $0x10, s18;
	[tilespmem:v7+s9+$0x0] =	vst.idx.add.s32.msk vm1, v9  }
0x13e: {  	s20 =	sadd.s32 $0x10, s20;
	v5 =	vld [tilespmem:s18+$0x0]  }
0x13f: {  	v6 =	vld [tilespmem:s20+$0x0]  }
0x140: {  	s21 =	sadd.s32 $0xFFFFFFFF, s21  }
.LBB2_22:
0x141: {  	s18 =	sadd.s32 @p0 $0xFFFFFFF0, s19  }
0x142: {  	s17 =	smov.u32 @p0 s18  }
0x143: {  	v7 =	vshrl.u32 v5, $0x8;
	v8 =	vmov s17  }
0x144: {  	v7 =	vand.u32 $0xFF, v7;
	vm0 =	vgt.s32 v8, v3  }
0x145: {  	(xrf1) =	vunique.msk.u32 vm0, v7;
	_ =	sdelay $0x9  }
0x146: {  	v63 =	vld.idx.msk [tilespmem:v7+s9+$0x0], $0xffff;
	_ =	sdelay $0x3  }
0x147: {  	_, v9, vm1 =	vpop (xrf1)  }
0x148: {  	v8 =	vadd.s32 v9, v63  }
0x149: {  	v8 =	vadd.s32 $0xFFFFFFFF, v8  }
0x14a: {  	vm1 =	vmand vm0, vm1;
	_ =	sdelay $0x3  }
0x14b: {  	[tilespmem:v8+s10+$0x0] =	vst.idx.msk vm0, v5  }
0x14c: {  	[tilespmem:v8+s11+$0x0] =	vst.idx.msk vm0, v6  }
0x14d: {  	[tilespmem:v7+s9+$0x0] =	vst.idx.add.s32.msk vm1, v9  }
.LBB2_23:
0x14e: {  	s17 =	sadd.s32 $0x7F, s16  }
0x14f: {  	s18 =	sand.u32 $0x7F, s17  }
0x150: {  	s31 =	sshra.s32 s17, $0x1F;
	p1 =	slt.s32 s17, $0x1;
	p0 =	sne.s32 s18, $0x0  }
0x151: {  	s18 =	sshrl.u32 s31, $0x19;
	p0 =	por !p1, !p0  }
0x152: {  	s17 =	sadd.s32 s18, s17;
	s18 =	simm.s32 $0x1;
	p0 =	por !p0, !p0  }
0x153: {  	[tilespmem:s16+$0x3520] =	vst v2;
	s17 =	sshra.s32 s17, $0x7;
	s18 =	simm.s32 @!p0 $0x0  }
0x154: {  	[tilespmem:s16+$0x3530] =	vst v2;
	s17 =	ssub.s32 s17, s18  }
0x155: {  	[tilespmem:s16+$0x3540] =	vst v2;
	p0 =	slt.s32 s17, $0x1  }
.Ltmp14:
0x156: {  	[tilespmem:s16+$0x3550] =	vst v2;
	(pc) =	sbr.rel @p0 .LBB2_29-.Ltmp14, $4  }
0x157: {  	[tilespmem:s16+$0x3560] =	vst v2  }
0x158: {  	[tilespmem:s16+$0x3570] =	vst v2  }
0x159: {  	[tilespmem:s16+$0x3580] =	vst v2  }
0x15a: {  	[tilespmem:s16+$0x3590] =	vst v2  }
0x15b: {  	p0 =	sne.s32 s17, $0x1  }
.Ltmp15:
0x15c: {  	_ = 	snop;
	(pc) =	sbr.rel @!p0 .LBB2_26-.Ltmp15, $3  }
0x15d: {  	_ =	sdelay $0x1  }
0x15e: {  	s16 =	simm.s32 $0x3520;
	s18 =	simm.s32 $0x41A0;
	s19 =	sadd.s32 $0xFFFFFFFF, s17  }
0x15f: {  	[tilespmem:s18], [sflag:$0x1] =	stream.indirect.gather [hbm4b:s3+s12], $0x10, s16, s12, $0xb8;
	[tilespmem:$0x143D0] =	vst v63  }
.LBB2_25:
0x160: {  	p1 =	sne.s32 s19, $0x1  }
.Ltmp16:
0x161: {  	_ = 	snop;
	(pc) =	sbr.rel @p1 .LBB2_25-.Ltmp16, $4  }
0x162: {  	_ = 	snop  }
0x163: {  	s16 =	sadd.s32 $0x80, s16;
	s18 =	sadd.s32 $0x800, s18  }
0x164: {  	s19 =	sadd.s32 $0xFFFFFFFF, s19  }
0x165: {  	[tilespmem:s18], [sflag:$0x1] =	stream.indirect.gather [hbm4b:s3+s12], $0x10, s16, s12, $0xb8;
	[tilespmem:$0x143D0] =	vst v63  }
.LBB2_26:
.Ltmp17:
0x166: {  	(pc) =	sbr.rel @!p0 .LBB2_28-.Ltmp17, $3  }
0x167: {  	_ =	sdelay $0x1  }
0x168: {  	_ =	swait.ge [sflag:s8], $0x800  }
0x169: {  	s16 =	sadd.s32 $0xFFFFFFFF, s17;
	[sflag:s8] =	ssyncset.done $0x0  }
.LBB2_27:
0x16a: {  	p0 =	sne.s32 s16, $0x1;
	s16 =	sadd.s32 $0xFFFFFFFF, s16;
	[sflag:s8] =	ssyncadd.s32 $0xFFFFF800  }
.Ltmp18:
0x16b: {  	(pc) =	sbr.rel @p0 .LBB2_27-.Ltmp18, $3  }
0x16c: {  	_ =	sdelay $0x1  }
0x16d: {  	_ =	swait.ge [sflag:s8], $0x800  }
0x16e: {  	[sflag:s8] =	ssyncset.done $0x0  }
.LBB2_28:
0x16f: {  	[sflag:s8] =	ssyncadd.s32 $0xFFFFF800  }
.LBB2_29:
.Ltmp19:
0x170: {  	(pc) =	sbr.rel .LBB2_30-.Ltmp19, $2  }
0x171: {  	_ =	sdelay $0x2  }
0x172: {  	s16 =	simm.s32 $0x0  }
.LBB2_36:
0x173: {  	s19 =	smov.u32 s18  }
.LBB2_40:
0x174: {  	(v2sf) =	vpush v5, $0x0;
	_ =	sdelay $0xe  }
0x175: {  	s20 =	spop (v2sf)  }
0x176: {  	s21 =	sshll.u32 s20, $0x3  }
0x177: {  	s20 =	sand.u32 $0x7F, s20;
	s21 =	sand.u32 $0x400, s21  }
0x178: {  	s19 =	sadd.s32 @p0 $0x10, s19;
	s20 =	sor.u32 s21, s20  }
0x179: {  	s18 =	smov.u32 @p0 s19;
	s20 =	sor.u32 s17, s20  }
0x17a: {  	v6 =	vld [tilespmem:s18+$0x0];
	v5 =	vor.u32 s20, v4;
	_ =	sdelay $0x4  }
0x17b: {  	[tilespmem:v5+s13+$0x0] =	vst.idx.msk $0xffff, v6  }
.LBB2_41:
0x17c: {  	s18 =	sshll.u32 s16, $0x9;
	s16 =	sadd.s32 $0x1, s16  }
0x17d: {  	p0 =	sne.s32 s16, $0x100  }
.Ltmp20:
0x17e: {  	_ = 	snop;
	(pc) =	sbr.rel @!p0 .LBB2_42-.Ltmp20, $3  }
0x17f: {  	_ =	sdelay $0x1  }
0x180: {  	s17 =	sadd.s32 $0x103D0, s17;
	s18 =	sadd.s32 s18, s5  }
0x181: {  	[hbm4b:s18+s2] =	stream.linear.scatter [tilespmem:s17], [sflag:$0x2], $0x1000, $0x38;
	[tilespmem:$0x143D0] =	vst v63  }
.LBB2_30:
0x182: {  	v5 =	vld [tilespmem:s16+$0x102B0];
	_ =	sdelay $0x4  }
0x183: {  	(v2sf) =	vpush v5, $0x0  }
0x184: {  	(v2sf) =	vpush v5, $0x1;
	_ =	sdelay $0xd  }
0x185: {  	p0 =	slt.u32 s16, $0x4;
	s18 =	spop (v2sf)  }
0x186: {  	s17 =	simm.s32 @!p0 $0x2;
	s19 =	spop (v2sf)  }
0x187: {  	_ =	swait.ge @!p0 [sflag:s17], $0x1000  }
0x188: {  	[sflag:s17] =	ssyncset.done @!p0 $0x0  }
0x189: {  	[sflag:s17] =	ssyncadd.s32 @!p0 $0xFFFFF000  }
0x18a: {  	v5 =	vld @!p0 [tilespmem:s16+$0x102AC];
	_ =	sdelay $0x4  }
0x18b: {  	(v2sf) =	vpush @!p0 v5, $0x0  }
0x18c: {  	(v2sf) =	vpush @!p0 v5, $0x1;
	_ =	sdelay $0xd  }
0x18d: {  	s20 =	spop @!p0 (v2sf)  }
0x18e: {  	s21 =	spop @!p0 (v2sf)  }
0x18f: {  	p1 =	sle.s32 @!p0 s21, s20  }
0x190: {  	p0 =	por p0, p1  }
.Ltmp21:
0x191: {  	_ = 	snop;
	(pc) =	sbr.rel @p0 .LBB2_34-.Ltmp21, $3  }
0x192: {  	_ =	sdelay $0x1  }
0x193: {  	s31 =	sshll.u32 s16, $0xC  }
0x194: {  	s17 =	sand.u32 $0x3000, s31  }
0x195: {  	s21 =	ssub.s32 s21, s20  }
0x196: {  	p0 =	sne.s32 s21, $0x1  }
.Ltmp22:
0x197: {  	_ = 	snop;
	(pc) =	sbr.rel @!p0 .LBB2_33-.Ltmp22, $4  }
0x198: {  	s22 =	sshll.u32 s20, $0x2  }
0x199: {  	s31 =	sshra.s32 s22, $0x2  }
0x19a: {  	s20 =	sadd.s32 $0x28A0, s31  }
0x19b: {  	s21 =	sadd.s32 $0xFFFFFFFF, s21;
	v5 =	vld [tilespmem:s20+$0x0]  }
.LBB2_32:
0x19c: {  	p0 =	sne.s32 s21, $0x1;
	_ =	sdelay $0x3  }
0x19d: {  	(v2sf) =	vpush v5, $0x0;
	_ =	sdelay $0xe  }
0x19e: {  	s22 =	spop (v2sf)  }
0x19f: {  	s23 =	sshll.u32 s22, $0x3  }
0x1a0: {  	s22 =	sand.u32 $0x7F, s22;
	s23 =	sand.u32 $0x400, s23  }
0x1a1: {  	s22 =	sor.u32 s23, s22  }
0x1a2: {  	s22 =	sor.u32 s17, s22  }
0x1a3: {  	v5 =	vor.u32 s22, v4;
	_ =	sdelay $0x1  }
.Ltmp23:
0x1a4: {  	(pc) =	sbr.rel @p0 .LBB2_32-.Ltmp23, $3  }
0x1a5: {  	_ =	sdelay $0x1  }
0x1a6: {  	s20 =	sadd.s32 $0x1, s20;
	[tilespmem:v5+s13+$0x0] =	vst.idx.msk $0xffff, v1  }
0x1a7: {  	s21 =	sadd.s32 $0xFFFFFFFF, s21;
	v5 =	vld [tilespmem:s20+$0x0]  }
.LBB2_33:
0x1a8: {  	_ =	sdelay $0x3  }
0x1a9: {  	(v2sf) =	vpush v5, $0x0;
	_ =	sdelay $0xe  }
0x1aa: {  	s20 =	spop (v2sf)  }
0x1ab: {  	s21 =	sshll.u32 s20, $0x3  }
0x1ac: {  	s20 =	sand.u32 $0x7F, s20;
	s21 =	sand.u32 $0x400, s21  }
0x1ad: {  	s20 =	sor.u32 s21, s20  }
0x1ae: {  	s20 =	sor.u32 s17, s20  }
0x1af: {  	v5 =	vor.u32 s20, v4;
	_ =	sdelay $0x4  }
0x1b0: {  	[tilespmem:v5+s13+$0x0] =	vst.idx.msk $0xffff, v1  }
.LBB2_34:
0x1b1: {  	p0 =	sle.s32 s19, s18  }
.Ltmp24:
0x1b2: {  	_ = 	snop;
	(pc) =	sbr.rel @p0 .LBB2_41-.Ltmp24, $1  }
0x1b3: {  	_ =	sdelay $0x3  }
0x1b4: {  	s20 =	sshll.u32 s18, $0x2  }
0x1b5: {  	s21 =	ssub.s32 s19, s18;
	s31 =	sshra.s32 s20, $0x2  }
0x1b6: {  	p1 =	sne.s32 s21, $0x1;
	s19 =	sadd.s32 $0x28A0, s31  }
.Ltmp25:
0x1b7: {  	v5 =	vld [tilespmem:s19+$0x0];
	(pc) =	sbr.rel @!p1 .LBB2_36-.Ltmp25, $4  }
0x1b8: {  	_ = 	snop  }
0x1b9: {  	s30 =	sshll.u32 s18, $0x6  }
0x1ba: {  	s18 =	sshra.s32 s30, $0x2  }
0x1bb: {  	p0 =	por $0x0, $0x0;
	s21 =	sadd.s32 $0xFFFFFFFF, s21;
	s18 =	sadd.s32 $0x41A0, s18  }
0x1bc: {  	(v2sf) =	vpush v5, $0x0;
	_ =	sdelay $0xe  }
0x1bd: {  	s20 =	spop (v2sf)  }
0x1be: {  	s22 =	sshll.u32 s20, $0x3  }
0x1bf: {  	s20 =	sand.u32 $0x7F, s20;
	s22 =	sand.u32 $0x400, s22  }
0x1c0: {  	s20 =	sor.u32 s22, s20  }
0x1c1: {  	s20 =	sor.u32 s17, s20  }
0x1c2: {  	v6 =	vld [tilespmem:s18+$0x0];
	v5 =	vor.u32 s20, v4;
	_ =	sdelay $0x4  }
0x1c3: {  	p1 =	sne.s32 s21, $0x1;
	s20 =	sadd.s32 $0x1, s19;
	[tilespmem:v5+s13+$0x0] =	vst.idx.msk $0xffff, v6  }
.Ltmp26:
0x1c4: {  	v5 =	vld [tilespmem:s20+$0x0];
	(pc) =	sbr.rel @!p1 .LBB2_38-.Ltmp26, $2  }
0x1c5: {  	_ =	sdelay $0x2  }
0x1c6: {  	s21 =	sadd.s32 $0xFFFFFFFF, s21;
	p0 =	por $0x1, $0x1;
	s19 =	smov.u32 s18  }
.LBB2_39:
0x1c7: {  	p1 =	sne.s32 s21, $0x1;
	_ =	sdelay $0x3  }
0x1c8: {  	(v2sf) =	vpush v5, $0x0;
	_ =	sdelay $0xe  }
0x1c9: {  	s22 =	spop (v2sf)  }
0x1ca: {  	s23 =	sshll.u32 s22, $0x3  }
0x1cb: {  	s22 =	sand.u32 $0x7F, s22;
	s23 =	sand.u32 $0x400, s23  }
0x1cc: {  	s22 =	sor.u32 s23, s22  }
0x1cd: {  	s19 =	sadd.s32 $0x10, s19;
	s22 =	sor.u32 s17, s22  }
0x1ce: {  	v5 =	vor.u32 s22, v4;
	v6 =	vld [tilespmem:s19+$0x0];
	_ =	sdelay $0x1  }
.Ltmp27:
0x1cf: {  	(pc) =	sbr.rel @p1 .LBB2_39-.Ltmp27, $3  }
0x1d0: {  	_ =	sdelay $0x1  }
0x1d1: {  	s20 =	sadd.s32 $0x1, s20;
	[tilespmem:v5+s13+$0x0] =	vst.idx.msk $0xffff, v6  }
0x1d2: {  	s21 =	sadd.s32 $0xFFFFFFFF, s21;
	v5 =	vld [tilespmem:s20+$0x0]  }
.Ltmp28:
0x1d3: {  	_ = 	snop;
	(pc) =	sbr.rel .LBB2_40-.Ltmp28, $1  }
0x1d4: {  	_ =	sdelay $0x3  }
.LBB2_38:
.Ltmp29:
0x1d5: {  	(pc) =	sbr.rel .LBB2_40-.Ltmp29, $2  }
0x1d6: {  	_ =	sdelay $0x2  }
0x1d7: {  	s19 =	smov.u32 s18  }
.LBB2_9:
.Ltmp30:
0x1d8: {  	(pc) =	sbr.rel .LBB2_13-.Ltmp30, $2  }
0x1d9: {  	_ =	sdelay $0x2  }
0x1da: {  	s23 =	smov.u32 s22  }
.LBB2_18:
.Ltmp31:
0x1db: {  	(pc) =	sbr.rel .LBB2_22-.Ltmp31, $2  }
0x1dc: {  	_ =	sdelay $0x2  }
0x1dd: {  	s19 =	smov.u32 s17  }
.LBB2_11:
.Ltmp32:
0x1de: {  	(pc) =	sbr.rel .LBB2_13-.Ltmp32, $2  }
0x1df: {  	_ =	sdelay $0x2  }
0x1e0: {  	s23 =	smov.u32 s22  }
.LBB2_20:
.Ltmp33:
0x1e1: {  	(pc) =	sbr.rel .LBB2_22-.Ltmp33, $2  }
0x1e2: {  	_ =	sdelay $0x2  }
0x1e3: {  	s19 =	smov.u32 s17  }
.LBB2_43:
0x1e4: {  	_ =	sfence.sel $0x180000  }
0x1e5: {  	[bflag:$0x0] =	sbarrier.arrive $0xFFFF  }
0x1e6: {  	p0 =	sne.s32 s1, $0x0;
	_ =	strace $0x90000047  }
0x1e7: {  	s0 =	sadd.s32 @!p0 $0x100000, s0;
	[bflag:$0x2] =	sbarrier.arrive $0xFFFF  }
0x1e8: {  	[sflag:s0] =	ssyncadd.tile.s32 @!p0 $0x1;
	_ =	shalt  }
.Lfunc_end2:
_tile_overlayer_lowered:
.L_overlay_start_2:
0x1e9: {  	(tag) =	ssettag $0x2  }
0x1ea: {  	s0 =	rddreg [dreg:$0x0];
	s2 =	stileid.u32  }
0x1eb: {  	s1 =	rddreg [dreg:$0x1];
	p0 =	sne.s32 s2, $0x0  }
0x1ec: {  	s3 =	rddreg [dreg:$0x2];
	[bflag:$0x3] =	sbarrier.arrive $0xFFFF;
	s2 =	simm.s32 @!p0 $0x1C03  }
0x1ed: {  	[timem:s3], [sflag:s2] =	dma.local @!p0 [hbm:s0], s1  }
0x1ee: {  	s0 =	simm.s32 @!p0 $0x3  }
0x1ef: {  	_ =	swait.ge @!p0 [sflag:s0], s1  }
0x1f0: {  	s1 =	ssub.s32 @!p0 $0x0, s1;
	[sflag:s0] =	ssyncset.done @!p0 $0x0  }
0x1f1: {  	[sflag:s0] =	ssyncadd.s32 @!p0 s1  }
0x1f2: {  	[bflag:$0x3] =	sbarrier.arrive $0xFFFF  }
0x1f3: {  	_ =	shalt  }

</sc_bundles>
